<compile_context>
chip_gen: v7x
topology: tpu7x:2x2x1
jax: 0.10.2.dev20260603
libtpu: 0.0.44.dev20260713+nightly
codegen_flags: <defaults>
</compile_context>

<pallas_src>
import functools

import jax
import jax.numpy as jnp
from jax import lax
from jax.experimental import pallas as pl
from jax.experimental.pallas import tpu as pltpu
from jax.experimental.pallas import tpu_sc as plsc

B, N, M, D = 8, 2048, 2048, 3
B_TC = 7
NW = 32
ROWS = N // NW
RU = 8
BIG = 3.0e38


def _tc_body(t_ref, s_ref, o_ref, acc_ref):
    b = pl.program_id(0)
    t = t_ref[0]
    sT = s_ref[0]
    tn = jnp.sum(t * t, axis=1, keepdims=True)
    sn = 0.25 * jnp.sum(sT * sT, axis=0, keepdims=True)
    prod = jax.lax.dot_general(
        t, sT, (((1,), (0,)), ((), ())),
        preferred_element_type=jnp.float32)
    d = prod + tn + sn
    rowmin = jnp.maximum(jnp.min(d, axis=1), 0.0)
    colmin = jnp.maximum(jnp.min(d, axis=0), 0.0)
    s1 = jnp.sum(jnp.sqrt(rowmin))
    s2 = jnp.sum(jnp.sqrt(colmin))

    @pl.when(b == 0)
    def _init():
        acc_ref[0] = 0.0
        acc_ref[1] = 0.0

    acc_ref[0] += s1
    acc_ref[1] += s2

    @pl.when(b == B_TC - 1)
    def _fin():
        o_ref[0, 0] = acc_ref[0]
        o_ref[0, 1] = acc_ref[1]


_sc_mesh = plsc.VectorSubcoreMesh(core_axis_name="c", subcore_axis_name="s")


@functools.partial(
    pl.kernel,
    out_type=[
        jax.ShapeDtypeStruct((NW * M,), jnp.float32),
        jax.ShapeDtypeStruct((N * 16,), jnp.float32),
    ],
    mesh=_sc_mesh,
    scratch_types=[
        pltpu.VMEM((D * N + 16,), jnp.float32),
        pltpu.VMEM((D * M,), jnp.float32),
        pltpu.VMEM((M,), jnp.float32),
        pltpu.VMEM((ROWS * 16,), jnp.float32),
    ],
)
def _sc_kernel(t_hbm, s_hbm, ocol_hbm, orow_hbm, t_vm, s_vm, col_vm, row_vm):
    w = lax.axis_index("s") * 2 + lax.axis_index("c")
    pltpu.sync_copy(t_hbm, t_vm.at[pl.ds(0, D * N)])
    pltpu.sync_copy(s_hbm, s_vm)

    def init_col(j, carry):
        col_vm[pl.ds(j * 16, 16)] = jnp.full((16,), BIG, jnp.float32)
        return carry

    lax.fori_loop(0, M // 16, init_col, 0)

    row0 = w * ROWS

    def row_block(rb, carry):
        base = row0 + rb * RU
        tx = [None] * RU
        ty = [None] * RU
        tz = [None] * RU
        vx = t_vm[pl.ds(base, 16)]
        vy = t_vm[pl.ds(N + base, 16)]
        vz = t_vm[pl.ds(2 * N + base, 16)]
        for k in range(RU):
            tx[k] = jnp.full((16,), vx[k], jnp.float32)
            ty[k] = jnp.full((16,), vy[k], jnp.float32)
            tz[k] = jnp.full((16,), vz[k], jnp.float32)

        def src_chunk(j, racc):
            sx = s_vm[pl.ds(j * 16, 16)]
            sy = s_vm[pl.ds(M + j * 16, 16)]
            sz = s_vm[pl.ds(2 * M + j * 16, 16)]
            cacc = col_vm[pl.ds(j * 16, 16)]
            out = []
            for k in range(RU):
                dx = sx - tx[k]
                dy = sy - ty[k]
                dz = sz - tz[k]
                dd = dx * dx + dy * dy + dz * dz
                out.append(jnp.minimum(racc[k], dd))
                cacc = jnp.minimum(cacc, dd)
            col_vm[pl.ds(j * 16, 16)] = cacc
            return tuple(out)

        racc = lax.fori_loop(
            0, M // 16, src_chunk,
            tuple(jnp.full((16,), BIG, jnp.float32) for _ in range(RU)))
        for k in range(RU):
            row_vm[pl.ds((rb * RU + k) * 16, 16)] = racc[k]
        return carry

    lax.fori_loop(0, ROWS // RU, row_block, 0)

    pltpu.sync_copy(col_vm, ocol_hbm.at[pl.ds(w * M, M)])
    pltpu.sync_copy(row_vm, orow_hbm.at[pl.ds(row0 * 16, ROWS * 16)])


def kernel(template, source):
    t_flat = jnp.swapaxes(template[B_TC], 0, 1).reshape(D * N)
    s_flat = jnp.swapaxes(source[B_TC], 0, 1).reshape(D * M)
    col_part, row_part = _sc_kernel(t_flat, s_flat)

    sT = jnp.swapaxes(source[:B_TC], 1, 2) * -2.0
    tc_out = pl.pallas_call(
        _tc_body,
        grid=(B_TC,),
        in_specs=[
            pl.BlockSpec((1, N, D), lambda b: (b, 0, 0)),
            pl.BlockSpec((1, D, M), lambda b: (b, 0, 0)),
        ],
        out_specs=pl.BlockSpec(memory_space=pltpu.SMEM),
        out_shape=jax.ShapeDtypeStruct((1, 2), jnp.float32),
        scratch_shapes=[pltpu.SMEM((2,), jnp.float32)],
    )(template[:B_TC], sT)

    col_sc = jnp.maximum(jnp.min(col_part.reshape(NW, M), axis=0), 0.0)
    row_sc = jnp.maximum(jnp.min(row_part.reshape(N, 16), axis=1), 0.0)
    s1 = tc_out[0, 0] + jnp.sum(jnp.sqrt(row_sc))
    s2 = tc_out[0, 1] + jnp.sum(jnp.sqrt(col_sc))
    return (s1 / (B * N) + s2 / (B * M)) * 0.5

# --- scband reference (transcript-rebuilt; emitter-appended) ---
"""Pipeline reference for scband-chamfer-distance-3813930959465 (READ-ONLY COPY).

The authoritative reference and input builder live on the scoring server;
editing this copy changes nothing except your own understanding.
"""

import jax, jax.numpy as jnp
import numpy as np

SCALE = 1.0

def setup_inputs(seed: int = 0) -> dict:
    key = jax.random.key(seed)
    k1, k2 = jax.random.split(key)
    template = jax.random.normal(k1, (8, 2048, 3), dtype=jnp.float32)
    source = jax.random.normal(k2, (8, 2048, 3), dtype=jnp.float32)
    return {"template": template, "source": source}

def _square_distance(src, dst):
    # ||src_i - dst_j||^2 = ||src_i||^2 + ||dst_j||^2 - 2 src_i . dst_j
    d = -2.0 * jnp.einsum('bnd,bmd->bnm', src, dst)
    d = d + jnp.sum(src ** 2, axis=-1)[:, :, None]
    d = d + jnp.sum(dst ** 2, axis=-1)[:, None, :]
    return d

def reference(template, source):
    p0 = template / SCALE
    p1 = source / SCALE
    d = _square_distance(p0, p1)
    d = jnp.maximum(d, 0.0)  # numerical guard, matches clamped squared distance
    cost_p0_p1 = jnp.min(d, axis=-1)  # nearest neighbor in p1 for each point of p0
    cost_p1_p0 = jnp.min(d, axis=-2)  # nearest neighbor in p0 for each point of p1
    cost_p0_p1 = jnp.mean(jnp.sqrt(cost_p0_p1))
    cost_p1_p0 = jnp.mean(jnp.sqrt(cost_p1_p0))
    chamfer_loss = (cost_p0_p1 + cost_p1_p0) / 2.0
    return chamfer_loss

if __name__ == "__main__":
    import jax
    _d = setup_inputs()
    print(jax.jit(kernel)(*tuple(_d.values())))

</pallas_src>

<mosaic_0001>
#map = affine_map<(d0, d1) -> (0)>
module attributes {stable_mosaic.version = 14 : i64} {
  func.func @_sc_kernel(%arg0: i32, %arg1: i32, %arg2: memref<6144xf32, #tpu.memory_space<hbm>>, %arg3: memref<6144xf32, #tpu.memory_space<hbm>>, %arg4: memref<65536xf32, #tpu.memory_space<hbm>>, %arg5: memref<32768xf32, #tpu.memory_space<hbm>>, %arg6: memref<6160xf32, #tpu.memory_space<vmem>>, %arg7: memref<6144xf32, #tpu.memory_space<vmem>>, %arg8: memref<2048xf32, #tpu.memory_space<vmem>>, %arg9: memref<1024xf32, #tpu.memory_space<vmem>>) attributes {dimension_semantics = [#tpu.dimension_semantics<core_parallel>, #tpu.dimension_semantics<subcore_parallel>], iteration_bounds = array<i64: 2, 16>, scalar_prefetch = 0 : i64, scratch_operands = 4 : i64, tpu.core_type = #tpu.core_type<sc_vector_subcore>, window_params = [{transform_indices = #map}, {transform_indices = #map}, {transform_indices = #map}, {transform_indices = #map}]} {
    %mul3A = arith.constant 2 : i32
    %mul3A_0 = arith.muli %arg1, %mul3A : i32
    %add3A = arith.addi %mul3A_0, %arg0 : i32
    "tpu.region"() ({
      %run_scoped3A = tpu.sem_alloc : memref<!tpu.dma_semaphore, #tpu.memory_space<semaphore_mem>>
      %dma_start3A = arith.constant 0 : i32
      %dma_start3A_18 = tpu.memref_slice %arg6[%dma_start3A] : memref<6160xf32, #tpu.memory_space<vmem>> -> memref<6144xf32, #tpu.memory_space<vmem>>
      %dma_start3A_19 = arith.constant 0 : i32
      %dma_start3A_20 = tpu.memref_slice %arg6[%dma_start3A_19] : memref<6160xf32, #tpu.memory_space<vmem>> -> memref<6144xf32, #tpu.memory_space<vmem>>
      tpu.enqueue_dma source(%arg2 : memref<6144xf32, #tpu.memory_space<hbm>>) target(%dma_start3A_20 : memref<6144xf32, #tpu.memory_space<vmem>>) target_semaphore(%run_scoped3A : memref<!tpu.dma_semaphore, #tpu.memory_space<semaphore_mem>>)
      %dma_wait3A = arith.constant 0 : i32
      %dma_wait3A_21 = tpu.memref_slice %arg6[%dma_wait3A] : memref<6160xf32, #tpu.memory_space<vmem>> -> memref<6144xf32, #tpu.memory_space<vmem>>
      %dma_wait3A_22 = arith.constant 0 : i32
      %dma_wait3A_23 = tpu.memref_slice %arg6[%dma_wait3A_22] : memref<6160xf32, #tpu.memory_space<vmem>> -> memref<6144xf32, #tpu.memory_space<vmem>>
      tpu.wait_dma2 semaphore(%run_scoped3A : memref<!tpu.dma_semaphore, #tpu.memory_space<semaphore_mem>>) src(%arg2 : memref<6144xf32, #tpu.memory_space<hbm>>) dst(%dma_wait3A_23 : memref<6144xf32, #tpu.memory_space<vmem>>)
      tpu.yield
    }) : () -> ()
    "tpu.region"() ({
      %run_scoped3A = tpu.sem_alloc : memref<!tpu.dma_semaphore, #tpu.memory_space<semaphore_mem>>
      tpu.enqueue_dma source(%arg3 : memref<6144xf32, #tpu.memory_space<hbm>>) target(%arg7 : memref<6144xf32, #tpu.memory_space<vmem>>) target_semaphore(%run_scoped3A : memref<!tpu.dma_semaphore, #tpu.memory_space<semaphore_mem>>)
      tpu.wait_dma2 semaphore(%run_scoped3A : memref<!tpu.dma_semaphore, #tpu.memory_space<semaphore_mem>>) src(%arg3 : memref<6144xf32, #tpu.memory_space<hbm>>) dst(%arg7 : memref<6144xf32, #tpu.memory_space<vmem>>)
      tpu.yield
    }) : () -> ()
    %scan3A = arith.constant 0 : i32
    %scan3A_1 = arith.constant 0 : i32
    %scan3A_2 = arith.constant 128 : i32
    %scan3A_3 = arith.addi %scan3A_1, %scan3A_2 : i32
    %scan3A_4 = arith.constant 1 : i32
    scf.for %scan3A_18 = %scan3A_1 to %scan3A_3 step %scan3A_4  : i32 {
      %broadcast_in_dim3A = arith.constant 3.000000e+38 : f32
      %broadcast_in_dim3A_19 = vector.broadcast %broadcast_in_dim3A : f32 to vector<16xf32>
      %mul3A_20 = arith.constant 16 : i32
      %mul3A_21 = arith.muli %scan3A_18, %mul3A_20 : i32
      %swap3A = arith.index_cast %mul3A_21 : i32 to index
      %swap3A_22 = tpu.vector_load %arg8[%swap3A] {strides = array<i32>} : memref<2048xf32, #tpu.memory_space<vmem>>, vector<16xf32>,
      %swap3A_23 = vector.shape_cast %swap3A_22 : vector<16xf32> to vector<16xf32>
      %swap3A_24 = vector.shape_cast %broadcast_in_dim3A_19 : vector<16xf32> to vector<16xf32>
      tpu.vector_store %arg8[%swap3A], %swap3A_24 {strides = array<i32>} : memref<2048xf32, #tpu.memory_space<vmem>>, vector<16xf32>,
    }
    %scan3A_5 = arith.constant 128 : i32
    %mul3A_6 = arith.constant 64 : i32
    %mul3A_7 = arith.muli %add3A, %mul3A_6 : i32
    %scan3A_8 = arith.constant 0 : i32
    %scan3A_9 = arith.constant 0 : i32
    %scan3A_10 = arith.constant 8 : i32
    %scan3A_11 = arith.addi %scan3A_9, %scan3A_10 : i32
    %scan3A_12 = arith.constant 1 : i32
    scf.for %scan3A_18 = %scan3A_9 to %scan3A_11 step %scan3A_12  : i32 {
      %mul3A_19 = arith.constant 8 : i32
      %mul3A_20 = arith.muli %scan3A_18, %mul3A_19 : i32
      %add3A_21 = arith.addi %mul3A_7, %mul3A_20 : i32
      %get3A = arith.index_cast %add3A_21 : i32 to index
      %get3A_22 = tpu.vector_load %arg6[%get3A] {strides = array<i32>} : memref<6160xf32, #tpu.memory_space<vmem>>, vector<16xf32>,
      %get3A_23 = vector.shape_cast %get3A_22 : vector<16xf32> to vector<16xf32>
      %add3A_24 = arith.constant 2048 : i32
      %add3A_25 = arith.addi %add3A_24, %add3A_21 : i32
      %get3A_26 = arith.index_cast %add3A_25 : i32 to index
      %get3A_27 = tpu.vector_load %arg6[%get3A_26] {strides = array<i32>} : memref<6160xf32, #tpu.memory_space<vmem>>, vector<16xf32>,
      %get3A_28 = vector.shape_cast %get3A_27 : vector<16xf32> to vector<16xf32>
      %add3A_29 = arith.constant 4096 : i32
      %add3A_30 = arith.addi %add3A_29, %add3A_21 : i32
      %get3A_31 = arith.index_cast %add3A_30 : i32 to index
      %get3A_32 = tpu.vector_load %arg6[%get3A_31] {strides = array<i32>} : memref<6160xf32, #tpu.memory_space<vmem>>, vector<16xf32>,
      %get3A_33 = vector.shape_cast %get3A_32 : vector<16xf32> to vector<16xf32>
      %slice3A = vector.extract_strided_slice %get3A_23 {offsets = [0], sizes = [1], strides = [1]} : vector<16xf32> to vector<1xf32>
      %squeeze3A = vector.extract %slice3A[0] : f32 from vector<1xf32>
      %broadcast_in_dim3A = vector.broadcast %squeeze3A : f32 to vector<16xf32>
      %slice3A_34 = vector.extract_strided_slice %get3A_28 {offsets = [0], sizes = [1], strides = [1]} : vector<16xf32> to vector<1xf32>
      %squeeze3A_35 = vector.extract %slice3A_34[0] : f32 from vector<1xf32>
      %broadcast_in_dim3A_36 = vector.broadcast %squeeze3A_35 : f32 to vector<16xf32>
      %slice3A_37 = vector.extract_strided_slice %get3A_33 {offsets = [0], sizes = [1], strides = [1]} : vector<16xf32> to vector<1xf32>
      %squeeze3A_38 = vector.extract %slice3A_37[0] : f32 from vector<1xf32>
      %broadcast_in_dim3A_39 = vector.broadcast %squeeze3A_38 : f32 to vector<16xf32>
      %slice3A_40 = vector.extract_strided_slice %get3A_23 {offsets = [1], sizes = [1], strides = [1]} : vector<16xf32> to vector<1xf32>
      %squeeze3A_41 = vector.extract %slice3A_40[0] : f32 from vector<1xf32>
      %broadcast_in_dim3A_42 = vector.broadcast %squeeze3A_41 : f32 to vector<16xf32>
      %slice3A_43 = vector.extract_strided_slice %get3A_28 {offsets = [1], sizes = [1], strides = [1]} : vector<16xf32> to vector<1xf32>
      %squeeze3A_44 = vector.extract %slice3A_43[0] : f32 from vector<1xf32>
      %broadcast_in_dim3A_45 = vector.broadcast %squeeze3A_44 : f32 to vector<16xf32>
      %slice3A_46 = vector.extract_strided_slice %get3A_33 {offsets = [1], sizes = [1], strides = [1]} : vector<16xf32> to vector<1xf32>
      %squeeze3A_47 = vector.extract %slice3A_46[0] : f32 from vector<1xf32>
      %broadcast_in_dim3A_48 = vector.broadcast %squeeze3A_47 : f32 to vector<16xf32>
      %slice3A_49 = vector.extract_strided_slice %get3A_23 {offsets = [2], sizes = [1], strides = [1]} : vector<16xf32> to vector<1xf32>
      %squeeze3A_50 = vector.extract %slice3A_49[0] : f32 from vector<1xf32>
      %broadcast_in_dim3A_51 = vector.broadcast %squeeze3A_50 : f32 to vector<16xf32>
      %slice3A_52 = vector.extract_strided_slice %get3A_28 {offsets = [2], sizes = [1], strides = [1]} : vector<16xf32> to vector<1xf32>
      %squeeze3A_53 = vector.extract %slice3A_52[0] : f32 from vector<1xf32>
      %broadcast_in_dim3A_54 = vector.broadcast %squeeze3A_53 : f32 to vector<16xf32>
      %slice3A_55 = vector.extract_strided_slice %get3A_33 {offsets = [2], sizes = [1], strides = [1]} : vector<16xf32> to vector<1xf32>
      %squeeze3A_56 = vector.extract %slice3A_55[0] : f32 from vector<1xf32>
      %broadcast_in_dim3A_57 = vector.broadcast %squeeze3A_56 : f32 to vector<16xf32>
      %slice3A_58 = vector.extract_strided_slice %get3A_23 {offsets = [3], sizes = [1], strides = [1]} : vector<16xf32> to vector<1xf32>
      %squeeze3A_59 = vector.extract %slice3A_58[0] : f32 from vector<1xf32>
      %broadcast_in_dim3A_60 = vector.broadcast %squeeze3A_59 : f32 to vector<16xf32>
      %slice3A_61 = vector.extract_strided_slice %get3A_28 {offsets = [3], sizes = [1], strides = [1]} : vector<16xf32> to vector<1xf32>
      %squeeze3A_62 = vector.extract %slice3A_61[0] : f32 from vector<1xf32>
      %broadcast_in_dim3A_63 = vector.broadcast %squeeze3A_62 : f32 to vector<16xf32>
      %slice3A_64 = vector.extract_strided_slice %get3A_33 {offsets = [3], sizes = [1], strides = [1]} : vector<16xf32> to vector<1xf32>
      %squeeze3A_65 = vector.extract %slice3A_64[0] : f32 from vector<1xf32>
      %broadcast_in_dim3A_66 = vector.broadcast %squeeze3A_65 : f32 to vector<16xf32>
      %slice3A_67 = vector.extract_strided_slice %get3A_23 {offsets = [4], sizes = [1], strides = [1]} : vector<16xf32> to vector<1xf32>
      %squeeze3A_68 = vector.extract %slice3A_67[0] : f32 from vector<1xf32>
      %broadcast_in_dim3A_69 = vector.broadcast %squeeze3A_68 : f32 to vector<16xf32>
      %slice3A_70 = vector.extract_strided_slice %get3A_28 {offsets = [4], sizes = [1], strides = [1]} : vector<16xf32> to vector<1xf32>
      %squeeze3A_71 = vector.extract %slice3A_70[0] : f32 from vector<1xf32>
      %broadcast_in_dim3A_72 = vector.broadcast %squeeze3A_71 : f32 to vector<16xf32>
      %slice3A_73 = vector.extract_strided_slice %get3A_33 {offsets = [4], sizes = [1], strides = [1]} : vector<16xf32> to vector<1xf32>
      %squeeze3A_74 = vector.extract %slice3A_73[0] : f32 from vector<1xf32>
      %broadcast_in_dim3A_75 = vector.broadcast %squeeze3A_74 : f32 to vector<16xf32>
      %slice3A_76 = vector.extract_strided_slice %get3A_23 {offsets = [5], sizes = [1], strides = [1]} : vector<16xf32> to vector<1xf32>
      %squeeze3A_77 = vector.extract %slice3A_76[0] : f32 from vector<1xf32>
      %broadcast_in_dim3A_78 = vector.broadcast %squeeze3A_77 : f32 to vector<16xf32>
      %slice3A_79 = vector.extract_strided_slice %get3A_28 {offsets = [5], sizes = [1], strides = [1]} : vector<16xf32> to vector<1xf32>
      %squeeze3A_80 = vector.extract %slice3A_79[0] : f32 from vector<1xf32>
      %broadcast_in_dim3A_81 = vector.broadcast %squeeze3A_80 : f32 to vector<16xf32>
      %slice3A_82 = vector.extract_strided_slice %get3A_33 {offsets = [5], sizes = [1], strides = [1]} : vector<16xf32> to vector<1xf32>
      %squeeze3A_83 = vector.extract %slice3A_82[0] : f32 from vector<1xf32>
      %broadcast_in_dim3A_84 = vector.broadcast %squeeze3A_83 : f32 to vector<16xf32>
      %slice3A_85 = vector.extract_strided_slice %get3A_23 {offsets = [6], sizes = [1], strides = [1]} : vector<16xf32> to vector<1xf32>
      %squeeze3A_86 = vector.extract %slice3A_85[0] : f32 from vector<1xf32>
      %broadcast_in_dim3A_87 = vector.broadcast %squeeze3A_86 : f32 to vector<16xf32>
      %slice3A_88 = vector.extract_strided_slice %get3A_28 {offsets = [6], sizes = [1], strides = [1]} : vector<16xf32> to vector<1xf32>
      %squeeze3A_89 = vector.extract %slice3A_88[0] : f32 from vector<1xf32>
      %broadcast_in_dim3A_90 = vector.broadcast %squeeze3A_89 : f32 to vector<16xf32>
      %slice3A_91 = vector.extract_strided_slice %get3A_33 {offsets = [6], sizes = [1], strides = [1]} : vector<16xf32> to vector<1xf32>
      %squeeze3A_92 = vector.extract %slice3A_91[0] : f32 from vector<1xf32>
      %broadcast_in_dim3A_93 = vector.broadcast %squeeze3A_92 : f32 to vector<16xf32>
      %slice3A_94 = vector.extract_strided_slice %get3A_23 {offsets = [7], sizes = [1], strides = [1]} : vector<16xf32> to vector<1xf32>
      %squeeze3A_95 = vector.extract %slice3A_94[0] : f32 from vector<1xf32>
      %broadcast_in_dim3A_96 = vector.broadcast %squeeze3A_95 : f32 to vector<16xf32>
      %slice3A_97 = vector.extract_strided_slice %get3A_28 {offsets = [7], sizes = [1], strides = [1]} : vector<16xf32> to vector<1xf32>
      %squeeze3A_98 = vector.extract %slice3A_97[0] : f32 from vector<1xf32>
      %broadcast_in_dim3A_99 = vector.broadcast %squeeze3A_98 : f32 to vector<16xf32>
      %slice3A_100 = vector.extract_strided_slice %get3A_33 {offsets = [7], sizes = [1], strides = [1]} : vector<16xf32> to vector<1xf32>
      %squeeze3A_101 = vector.extract %slice3A_100[0] : f32 from vector<1xf32>
      %broadcast_in_dim3A_102 = vector.broadcast %squeeze3A_101 : f32 to vector<16xf32>
      %broadcast_in_dim3A_103 = arith.constant 3.000000e+38 : f32
      %broadcast_in_dim3A_104 = vector.broadcast %broadcast_in_dim3A_103 : f32 to vector<16xf32>
      %broadcast_in_dim3A_105 = arith.constant 3.000000e+38 : f32
      %broadcast_in_dim3A_106 = vector.broadcast %broadcast_in_dim3A_105 : f32 to vector<16xf32>
      %broadcast_in_dim3A_107 = arith.constant 3.000000e+38 : f32
      %broadcast_in_dim3A_108 = vector.broadcast %broadcast_in_dim3A_107 : f32 to vector<16xf32>
      %broadcast_in_dim3A_109 = arith.constant 3.000000e+38 : f32
      %broadcast_in_dim3A_110 = vector.broadcast %broadcast_in_dim3A_109 : f32 to vector<16xf32>
      %broadcast_in_dim3A_111 = arith.constant 3.000000e+38 : f32
      %broadcast_in_dim3A_112 = vector.broadcast %broadcast_in_dim3A_111 : f32 to vector<16xf32>
      %broadcast_in_dim3A_113 = arith.constant 3.000000e+38 : f32
      %broadcast_in_dim3A_114 = vector.broadcast %broadcast_in_dim3A_113 : f32 to vector<16xf32>
      %broadcast_in_dim3A_115 = arith.constant 3.000000e+38 : f32
      %broadcast_in_dim3A_116 = vector.broadcast %broadcast_in_dim3A_115 : f32 to vector<16xf32>
      %broadcast_in_dim3A_117 = arith.constant 3.000000e+38 : f32
      %broadcast_in_dim3A_118 = vector.broadcast %broadcast_in_dim3A_117 : f32 to vector<16xf32>
      %scan3A_119 = arith.constant 0 : i32
      %scan3A_120 = arith.constant 128 : i32
      %scan3A_121 = arith.addi %scan3A_119, %scan3A_120 : i32
      %scan3A_122 = arith.constant 1 : i32
      %scan3A_123:8 = scf.for %scan3A_204 = %scan3A_119 to %scan3A_121 step %scan3A_122 iter_args(%scan3A_205 = %broadcast_in_dim3A_104, %scan3A_206 = %broadcast_in_dim3A_106, %scan3A_207 = %broadcast_in_dim3A_108, %scan3A_208 = %broadcast_in_dim3A_110, %scan3A_209 = %broadcast_in_dim3A_112, %scan3A_210 = %broadcast_in_dim3A_114, %scan3A_211 = %broadcast_in_dim3A_116, %scan3A_212 = %broadcast_in_dim3A_118) -> (vector<16xf32>, vector<16xf32>, vector<16xf32>, vector<16xf32>, vector<16xf32>, vector<16xf32>, vector<16xf32>, vector<16xf32>)  : i32 {
        %mul3A_213 = arith.constant 16 : i32
        %mul3A_214 = arith.muli %scan3A_204, %mul3A_213 : i32
        %get3A_215 = arith.index_cast %mul3A_214 : i32 to index
        %get3A_216 = tpu.vector_load %arg7[%get3A_215] {strides = array<i32>} : memref<6144xf32, #tpu.memory_space<vmem>>, vector<16xf32>,
        %get3A_217 = vector.shape_cast %get3A_216 : vector<16xf32> to vector<16xf32>
        %mul3A_218 = arith.constant 16 : i32
        %mul3A_219 = arith.muli %scan3A_204, %mul3A_218 : i32
        %add3A_220 = arith.constant 2048 : i32
        %add3A_221 = arith.addi %add3A_220, %mul3A_219 : i32
        %get3A_222 = arith.index_cast %add3A_221 : i32 to index
        %get3A_223 = tpu.vector_load %arg7[%get3A_222] {strides = array<i32>} : memref<6144xf32, #tpu.memory_space<vmem>>, vector<16xf32>,
        %get3A_224 = vector.shape_cast %get3A_223 : vector<16xf32> to vector<16xf32>
        %mul3A_225 = arith.constant 16 : i32
        %mul3A_226 = arith.muli %scan3A_204, %mul3A_225 : i32
        %add3A_227 = arith.constant 4096 : i32
        %add3A_228 = arith.addi %add3A_227, %mul3A_226 : i32
        %get3A_229 = arith.index_cast %add3A_228 : i32 to index
        %get3A_230 = tpu.vector_load %arg7[%get3A_229] {strides = array<i32>} : memref<6144xf32, #tpu.memory_space<vmem>>, vector<16xf32>,
        %get3A_231 = vector.shape_cast %get3A_230 : vector<16xf32> to vector<16xf32>
        %mul3A_232 = arith.constant 16 : i32
        %mul3A_233 = arith.muli %scan3A_204, %mul3A_232 : i32
        %get3A_234 = arith.index_cast %mul3A_233 : i32 to index
        %get3A_235 = tpu.vector_load %arg8[%get3A_234] {strides = array<i32>} : memref<2048xf32, #tpu.memory_space<vmem>>, vector<16xf32>,
        %get3A_236 = vector.shape_cast %get3A_235 : vector<16xf32> to vector<16xf32>
        %sub3A = arith.subf %get3A_217, %broadcast_in_dim3A : vector<16xf32>
        %sub3A_237 = arith.subf %get3A_224, %broadcast_in_dim3A_36 : vector<16xf32>
        %sub3A_238 = arith.subf %get3A_231, %broadcast_in_dim3A_39 : vector<16xf32>
        %mul3A_239 = arith.mulf %sub3A, %sub3A : vector<16xf32>
        %mul3A_240 = arith.mulf %sub3A_237, %sub3A_237 : vector<16xf32>
        %add3A_241 = arith.addf %mul3A_239, %mul3A_240 : vector<16xf32>
        %mul3A_242 = arith.mulf %sub3A_238, %sub3A_238 : vector<16xf32>
        %add3A_243 = arith.addf %add3A_241, %mul3A_242 : vector<16xf32>
        %min3A = arith.minimumf %scan3A_205, %add3A_243 : vector<16xf32>
        %min3A_244 = arith.minimumf %get3A_236, %add3A_243 : vector<16xf32>
        %sub3A_245 = arith.subf %get3A_217, %broadcast_in_dim3A_42 : vector<16xf32>
        %sub3A_246 = arith.subf %get3A_224, %broadcast_in_dim3A_45 : vector<16xf32>
        %sub3A_247 = arith.subf %get3A_231, %broadcast_in_dim3A_48 : vector<16xf32>
        %mul3A_248 = arith.mulf %sub3A_245, %sub3A_245 : vector<16xf32>
        %mul3A_249 = arith.mulf %sub3A_246, %sub3A_246 : vector<16xf32>
        %add3A_250 = arith.addf %mul3A_248, %mul3A_249 : vector<16xf32>
        %mul3A_251 = arith.mulf %sub3A_247, %sub3A_247 : vector<16xf32>
        %add3A_252 = arith.addf %add3A_250, %mul3A_251 : vector<16xf32>
        %min3A_253 = arith.minimumf %scan3A_206, %add3A_252 : vector<16xf32>
        %min3A_254 = arith.minimumf %min3A_244, %add3A_252 : vector<16xf32>
        %sub3A_255 = arith.subf %get3A_217, %broadcast_in_dim3A_51 : vector<16xf32>
        %sub3A_256 = arith.subf %get3A_224, %broadcast_in_dim3A_54 : vector<16xf32>
        %sub3A_257 = arith.subf %get3A_231, %broadcast_in_dim3A_57 : vector<16xf32>
        %mul3A_258 = arith.mulf %sub3A_255, %sub3A_255 : vector<16xf32>
        %mul3A_259 = arith.mulf %sub3A_256, %sub3A_256 : vector<16xf32>
        %add3A_260 = arith.addf %mul3A_258, %mul3A_259 : vector<16xf32>
        %mul3A_261 = arith.mulf %sub3A_257, %sub3A_257 : vector<16xf32>
        %add3A_262 = arith.addf %add3A_260, %mul3A_261 : vector<16xf32>
        %min3A_263 = arith.minimumf %scan3A_207, %add3A_262 : vector<16xf32>
        %min3A_264 = arith.minimumf %min3A_254, %add3A_262 : vector<16xf32>
        %sub3A_265 = arith.subf %get3A_217, %broadcast_in_dim3A_60 : vector<16xf32>
        %sub3A_266 = arith.subf %get3A_224, %broadcast_in_dim3A_63 : vector<16xf32>
        %sub3A_267 = arith.subf %get3A_231, %broadcast_in_dim3A_66 : vector<16xf32>
        %mul3A_268 = arith.mulf %sub3A_265, %sub3A_265 : vector<16xf32>
        %mul3A_269 = arith.mulf %sub3A_266, %sub3A_266 : vector<16xf32>
        %add3A_270 = arith.addf %mul3A_268, %mul3A_269 : vector<16xf32>
        %mul3A_271 = arith.mulf %sub3A_267, %sub3A_267 : vector<16xf32>
        %add3A_272 = arith.addf %add3A_270, %mul3A_271 : vector<16xf32>
        %min3A_273 = arith.minimumf %scan3A_208, %add3A_272 : vector<16xf32>
        %min3A_274 = arith.minimumf %min3A_264, %add3A_272 : vector<16xf32>
        %sub3A_275 = arith.subf %get3A_217, %broadcast_in_dim3A_69 : vector<16xf32>
        %sub3A_276 = arith.subf %get3A_224, %broadcast_in_dim3A_72 : vector<16xf32>
        %sub3A_277 = arith.subf %get3A_231, %broadcast_in_dim3A_75 : vector<16xf32>
        %mul3A_278 = arith.mulf %sub3A_275, %sub3A_275 : vector<16xf32>
        %mul3A_279 = arith.mulf %sub3A_276, %sub3A_276 : vector<16xf32>
        %add3A_280 = arith.addf %mul3A_278, %mul3A_279 : vector<16xf32>
        %mul3A_281 = arith.mulf %sub3A_277, %sub3A_277 : vector<16xf32>
        %add3A_282 = arith.addf %add3A_280, %mul3A_281 : vector<16xf32>
        %min3A_283 = arith.minimumf %scan3A_209, %add3A_282 : vector<16xf32>
        %min3A_284 = arith.minimumf %min3A_274, %add3A_282 : vector<16xf32>
        %sub3A_285 = arith.subf %get3A_217, %broadcast_in_dim3A_78 : vector<16xf32>
        %sub3A_286 = arith.subf %get3A_224, %broadcast_in_dim3A_81 : vector<16xf32>
        %sub3A_287 = arith.subf %get3A_231, %broadcast_in_dim3A_84 : vector<16xf32>
        %mul3A_288 = arith.mulf %sub3A_285, %sub3A_285 : vector<16xf32>
        %mul3A_289 = arith.mulf %sub3A_286, %sub3A_286 : vector<16xf32>
        %add3A_290 = arith.addf %mul3A_288, %mul3A_289 : vector<16xf32>
        %mul3A_291 = arith.mulf %sub3A_287, %sub3A_287 : vector<16xf32>
        %add3A_292 = arith.addf %add3A_290, %mul3A_291 : vector<16xf32>
        %min3A_293 = arith.minimumf %scan3A_210, %add3A_292 : vector<16xf32>
        %min3A_294 = arith.minimumf %min3A_284, %add3A_292 : vector<16xf32>
        %sub3A_295 = arith.subf %get3A_217, %broadcast_in_dim3A_87 : vector<16xf32>
        %sub3A_296 = arith.subf %get3A_224, %broadcast_in_dim3A_90 : vector<16xf32>
        %sub3A_297 = arith.subf %get3A_231, %broadcast_in_dim3A_93 : vector<16xf32>
        %mul3A_298 = arith.mulf %sub3A_295, %sub3A_295 : vector<16xf32>
        %mul3A_299 = arith.mulf %sub3A_296, %sub3A_296 : vector<16xf32>
        %add3A_300 = arith.addf %mul3A_298, %mul3A_299 : vector<16xf32>
        %mul3A_301 = arith.mulf %sub3A_297, %sub3A_297 : vector<16xf32>
        %add3A_302 = arith.addf %add3A_300, %mul3A_301 : vector<16xf32>
        %min3A_303 = arith.minimumf %scan3A_211, %add3A_302 : vector<16xf32>
        %min3A_304 = arith.minimumf %min3A_294, %add3A_302 : vector<16xf32>
        %sub3A_305 = arith.subf %get3A_217, %broadcast_in_dim3A_96 : vector<16xf32>
        %sub3A_306 = arith.subf %get3A_224, %broadcast_in_dim3A_99 : vector<16xf32>
        %sub3A_307 = arith.subf %get3A_231, %broadcast_in_dim3A_102 : vector<16xf32>
        %mul3A_308 = arith.mulf %sub3A_305, %sub3A_305 : vector<16xf32>
        %mul3A_309 = arith.mulf %sub3A_306, %sub3A_306 : vector<16xf32>
        %add3A_310 = arith.addf %mul3A_308, %mul3A_309 : vector<16xf32>
        %mul3A_311 = arith.mulf %sub3A_307, %sub3A_307 : vector<16xf32>
        %add3A_312 = arith.addf %add3A_310, %mul3A_311 : vector<16xf32>
        %min3A_313 = arith.minimumf %scan3A_212, %add3A_312 : vector<16xf32>
        %min3A_314 = arith.minimumf %min3A_304, %add3A_312 : vector<16xf32>
        %mul3A_315 = arith.constant 16 : i32
        %mul3A_316 = arith.muli %scan3A_204, %mul3A_315 : i32
        %swap3A_317 = arith.index_cast %mul3A_316 : i32 to index
        %swap3A_318 = tpu.vector_load %arg8[%swap3A_317] {strides = array<i32>} : memref<2048xf32, #tpu.memory_space<vmem>>, vector<16xf32>,
        %swap3A_319 = vector.shape_cast %swap3A_318 : vector<16xf32> to vector<16xf32>
        %swap3A_320 = vector.shape_cast %min3A_314 : vector<16xf32> to vector<16xf32>
        tpu.vector_store %arg8[%swap3A_317], %swap3A_320 {strides = array<i32>} : memref<2048xf32, #tpu.memory_space<vmem>>, vector<16xf32>,
        scf.yield %min3A, %min3A_253, %min3A_263, %min3A_273, %min3A_283, %min3A_293, %min3A_303, %min3A_313 : vector<16xf32>, vector<16xf32>, vector<16xf32>, vector<16xf32>, vector<16xf32>, vector<16xf32>, vector<16xf32>, vector<16xf32>
      }
      %scan3A_124 = arith.constant 128 : i32
      %mul3A_125 = arith.constant 8 : i32
      %mul3A_126 = arith.muli %scan3A_18, %mul3A_125 : i32
      %add3A_127 = arith.constant 0 : i32
      %add3A_128 = arith.addi %mul3A_126, %add3A_127 : i32
      %mul3A_129 = arith.constant 16 : i32
      %mul3A_130 = arith.muli %add3A_128, %mul3A_129 : i32
      %swap3A = arith.index_cast %mul3A_130 : i32 to index
      %swap3A_131 = tpu.vector_load %arg9[%swap3A] {strides = array<i32>} : memref<1024xf32, #tpu.memory_space<vmem>>, vector<16xf32>,
      %swap3A_132 = vector.shape_cast %swap3A_131 : vector<16xf32> to vector<16xf32>
      %swap3A_133 = vector.shape_cast %scan3A_123#0 : vector<16xf32> to vector<16xf32>
      tpu.vector_store %arg9[%swap3A], %swap3A_133 {strides = array<i32>} : memref<1024xf32, #tpu.memory_space<vmem>>, vector<16xf32>,
      %mul3A_134 = arith.constant 8 : i32
      %mul3A_135 = arith.muli %scan3A_18, %mul3A_134 : i32
      %add3A_136 = arith.constant 1 : i32
      %add3A_137 = arith.addi %mul3A_135, %add3A_136 : i32
      %mul3A_138 = arith.constant 16 : i32
      %mul3A_139 = arith.muli %add3A_137, %mul3A_138 : i32
      %swap3A_140 = arith.index_cast %mul3A_139 : i32 to index
      %swap3A_141 = tpu.vector_load %arg9[%swap3A_140] {strides = array<i32>} : memref<1024xf32, #tpu.memory_space<vmem>>, vector<16xf32>,
      %swap3A_142 = vector.shape_cast %swap3A_141 : vector<16xf32> to vector<16xf32>
      %swap3A_143 = vector.shape_cast %scan3A_123#1 : vector<16xf32> to vector<16xf32>
      tpu.vector_store %arg9[%swap3A_140], %swap3A_143 {strides = array<i32>} : memref<1024xf32, #tpu.memory_space<vmem>>, vector<16xf32>,
      %mul3A_144 = arith.constant 8 : i32
      %mul3A_145 = arith.muli %scan3A_18, %mul3A_144 : i32
      %add3A_146 = arith.constant 2 : i32
      %add3A_147 = arith.addi %mul3A_145, %add3A_146 : i32
      %mul3A_148 = arith.constant 16 : i32
      %mul3A_149 = arith.muli %add3A_147, %mul3A_148 : i32
      %swap3A_150 = arith.index_cast %mul3A_149 : i32 to index
      %swap3A_151 = tpu.vector_load %arg9[%swap3A_150] {strides = array<i32>} : memref<1024xf32, #tpu.memory_space<vmem>>, vector<16xf32>,
      %swap3A_152 = vector.shape_cast %swap3A_151 : vector<16xf32> to vector<16xf32>
      %swap3A_153 = vector.shape_cast %scan3A_123#2 : vector<16xf32> to vector<16xf32>
      tpu.vector_store %arg9[%swap3A_150], %swap3A_153 {strides = array<i32>} : memref<1024xf32, #tpu.memory_space<vmem>>, vector<16xf32>,
      %mul3A_154 = arith.constant 8 : i32
      %mul3A_155 = arith.muli %scan3A_18, %mul3A_154 : i32
      %add3A_156 = arith.constant 3 : i32
      %add3A_157 = arith.addi %mul3A_155, %add3A_156 : i32
      %mul3A_158 = arith.constant 16 : i32
      %mul3A_159 = arith.muli %add3A_157, %mul3A_158 : i32
      %swap3A_160 = arith.index_cast %mul3A_159 : i32 to index
      %swap3A_161 = tpu.vector_load %arg9[%swap3A_160] {strides = array<i32>} : memref<1024xf32, #tpu.memory_space<vmem>>, vector<16xf32>,
      %swap3A_162 = vector.shape_cast %swap3A_161 : vector<16xf32> to vector<16xf32>
      %swap3A_163 = vector.shape_cast %scan3A_123#3 : vector<16xf32> to vector<16xf32>
      tpu.vector_store %arg9[%swap3A_160], %swap3A_163 {strides = array<i32>} : memref<1024xf32, #tpu.memory_space<vmem>>, vector<16xf32>,
      %mul3A_164 = arith.constant 8 : i32
      %mul3A_165 = arith.muli %scan3A_18, %mul3A_164 : i32
      %add3A_166 = arith.constant 4 : i32
      %add3A_167 = arith.addi %mul3A_165, %add3A_166 : i32
      %mul3A_168 = arith.constant 16 : i32
      %mul3A_169 = arith.muli %add3A_167, %mul3A_168 : i32
      %swap3A_170 = arith.index_cast %mul3A_169 : i32 to index
      %swap3A_171 = tpu.vector_load %arg9[%swap3A_170] {strides = array<i32>} : memref<1024xf32, #tpu.memory_space<vmem>>, vector<16xf32>,
      %swap3A_172 = vector.shape_cast %swap3A_171 : vector<16xf32> to vector<16xf32>
      %swap3A_173 = vector.shape_cast %scan3A_123#4 : vector<16xf32> to vector<16xf32>
      tpu.vector_store %arg9[%swap3A_170], %swap3A_173 {strides = array<i32>} : memref<1024xf32, #tpu.memory_space<vmem>>, vector<16xf32>,
      %mul3A_174 = arith.constant 8 : i32
      %mul3A_175 = arith.muli %scan3A_18, %mul3A_174 : i32
      %add3A_176 = arith.constant 5 : i32
      %add3A_177 = arith.addi %mul3A_175, %add3A_176 : i32
      %mul3A_178 = arith.constant 16 : i32
      %mul3A_179 = arith.muli %add3A_177, %mul3A_178 : i32
      %swap3A_180 = arith.index_cast %mul3A_179 : i32 to index
      %swap3A_181 = tpu.vector_load %arg9[%swap3A_180] {strides = array<i32>} : memref<1024xf32, #tpu.memory_space<vmem>>, vector<16xf32>,
      %swap3A_182 = vector.shape_cast %swap3A_181 : vector<16xf32> to vector<16xf32>
      %swap3A_183 = vector.shape_cast %scan3A_123#5 : vector<16xf32> to vector<16xf32>
      tpu.vector_store %arg9[%swap3A_180], %swap3A_183 {strides = array<i32>} : memref<1024xf32, #tpu.memory_space<vmem>>, vector<16xf32>,
      %mul3A_184 = arith.constant 8 : i32
      %mul3A_185 = arith.muli %scan3A_18, %mul3A_184 : i32
      %add3A_186 = arith.constant 6 : i32
      %add3A_187 = arith.addi %mul3A_185, %add3A_186 : i32
      %mul3A_188 = arith.constant 16 : i32
      %mul3A_189 = arith.muli %add3A_187, %mul3A_188 : i32
      %swap3A_190 = arith.index_cast %mul3A_189 : i32 to index
      %swap3A_191 = tpu.vector_load %arg9[%swap3A_190] {strides = array<i32>} : memref<1024xf32, #tpu.memory_space<vmem>>, vector<16xf32>,
      %swap3A_192 = vector.shape_cast %swap3A_191 : vector<16xf32> to vector<16xf32>
      %swap3A_193 = vector.shape_cast %scan3A_123#6 : vector<16xf32> to vector<16xf32>
      tpu.vector_store %arg9[%swap3A_190], %swap3A_193 {strides = array<i32>} : memref<1024xf32, #tpu.memory_space<vmem>>, vector<16xf32>,
      %mul3A_194 = arith.constant 8 : i32
      %mul3A_195 = arith.muli %scan3A_18, %mul3A_194 : i32
      %add3A_196 = arith.constant 7 : i32
      %add3A_197 = arith.addi %mul3A_195, %add3A_196 : i32
      %mul3A_198 = arith.constant 16 : i32
      %mul3A_199 = arith.muli %add3A_197, %mul3A_198 : i32
      %swap3A_200 = arith.index_cast %mul3A_199 : i32 to index
      %swap3A_201 = tpu.vector_load %arg9[%swap3A_200] {strides = array<i32>} : memref<1024xf32, #tpu.memory_space<vmem>>, vector<16xf32>,
      %swap3A_202 = vector.shape_cast %swap3A_201 : vector<16xf32> to vector<16xf32>
      %swap3A_203 = vector.shape_cast %scan3A_123#7 : vector<16xf32> to vector<16xf32>
      tpu.vector_store %arg9[%swap3A_200], %swap3A_203 {strides = array<i32>} : memref<1024xf32, #tpu.memory_space<vmem>>, vector<16xf32>,
    }
    %scan3A_13 = arith.constant 8 : i32
    %mul3A_14 = arith.constant 2048 : i32
    %mul3A_15 = arith.muli %add3A, %mul3A_14 : i32
    "tpu.region"() ({
      %run_scoped3A = tpu.sem_alloc : memref<!tpu.dma_semaphore, #tpu.memory_space<semaphore_mem>>
      %dma_start3A = tpu.memref_slice %arg4[%mul3A_15] : memref<65536xf32, #tpu.memory_space<hbm>> -> memref<2048xf32, #tpu.memory_space<hbm>>
      %dma_start3A_18 = tpu.memref_slice %arg4[%mul3A_15] : memref<65536xf32, #tpu.memory_space<hbm>> -> memref<2048xf32, #tpu.memory_space<hbm>>
      tpu.enqueue_dma source(%arg8 : memref<2048xf32, #tpu.memory_space<vmem>>) target(%dma_start3A_18 : memref<2048xf32, #tpu.memory_space<hbm>>) target_semaphore(%run_scoped3A : memref<!tpu.dma_semaphore, #tpu.memory_space<semaphore_mem>>)
      %dma_wait3A = tpu.memref_slice %arg4[%mul3A_15] : memref<65536xf32, #tpu.memory_space<hbm>> -> memref<2048xf32, #tpu.memory_space<hbm>>
      %dma_wait3A_19 = tpu.memref_slice %arg4[%mul3A_15] : memref<65536xf32, #tpu.memory_space<hbm>> -> memref<2048xf32, #tpu.memory_space<hbm>>
      tpu.wait_dma2 semaphore(%run_scoped3A : memref<!tpu.dma_semaphore, #tpu.memory_space<semaphore_mem>>) src(%arg8 : memref<2048xf32, #tpu.memory_space<vmem>>) dst(%dma_wait3A_19 : memref<2048xf32, #tpu.memory_space<hbm>>)
      tpu.yield
    }) : () -> ()
    %mul3A_16 = arith.constant 16 : i32
    %mul3A_17 = arith.muli %mul3A_7, %mul3A_16 : i32
    "tpu.region"() ({
      %run_scoped3A = tpu.sem_alloc : memref<!tpu.dma_semaphore, #tpu.memory_space<semaphore_mem>>
      %dma_start3A = tpu.memref_slice %arg5[%mul3A_17] : memref<32768xf32, #tpu.memory_space<hbm>> -> memref<1024xf32, #tpu.memory_space<hbm>>
      %dma_start3A_18 = tpu.memref_slice %arg5[%mul3A_17] : memref<32768xf32, #tpu.memory_space<hbm>> -> memref<1024xf32, #tpu.memory_space<hbm>>
      tpu.enqueue_dma source(%arg9 : memref<1024xf32, #tpu.memory_space<vmem>>) target(%dma_start3A_18 : memref<1024xf32, #tpu.memory_space<hbm>>) target_semaphore(%run_scoped3A : memref<!tpu.dma_semaphore, #tpu.memory_space<semaphore_mem>>)
      %dma_wait3A = tpu.memref_slice %arg5[%mul3A_17] : memref<32768xf32, #tpu.memory_space<hbm>> -> memref<1024xf32, #tpu.memory_space<hbm>>
      %dma_wait3A_19 = tpu.memref_slice %arg5[%mul3A_17] : memref<32768xf32, #tpu.memory_space<hbm>> -> memref<1024xf32, #tpu.memory_space<hbm>>
      tpu.wait_dma2 semaphore(%run_scoped3A : memref<!tpu.dma_semaphore, #tpu.memory_space<semaphore_mem>>) src(%arg9 : memref<1024xf32, #tpu.memory_space<vmem>>) dst(%dma_wait3A_19 : memref<1024xf32, #tpu.memory_space<hbm>>)
      tpu.yield
    }) : () -> ()
    return
  }
}

module attributes {stable_mosaic.version = 14 : i64} {
  func.func @_tc_body(%arg0: i32, %arg1: memref<1x2048x3xf32, #tpu.memory_space<vmem>>, %arg2: memref<1x3x2048xf32, #tpu.memory_space<vmem>>, %arg3: memref<1x2xf32, #tpu.memory_space<smem>>, %arg4: memref<2xf32, #tpu.memory_space<smem>>) attributes {dimension_semantics = [#tpu.dimension_semantics<arbitrary>], iteration_bounds = array<i64: 7>, scalar_prefetch = 0 : i64, scratch_operands = 1 : i64, tpu.core_type = #tpu.core_type<tc>, window_params = [{transform_indices = @transform_0, window_bounds = array<i64: 1, 2048, 3>}, {transform_indices = @transform_1, window_bounds = array<i64: 1, 3, 2048>}, {transform_indices = @transform_2, window_bounds = array<i64: 1, 2>}]} {
    %get3A = arith.constant 0 : index
    %get3A_0 = arith.constant 0 : index
    %get3A_1 = arith.constant 0 : index
    %get3A_2 = vector.load %arg1[%get3A, %get3A_0, %get3A_1] : memref<1x2048x3xf32, #tpu.memory_space<vmem>>, vector<1x2048x3xf32>
    %get3A_3 = vector.shape_cast %get3A_2 : vector<1x2048x3xf32> to vector<2048x3xf32>
    %get3A_4 = arith.constant 0 : index
    %get3A_5 = arith.constant 0 : index
    %get3A_6 = arith.constant 0 : index
    %get3A_7 = vector.load %arg2[%get3A_4, %get3A_5, %get3A_6] : memref<1x3x2048xf32, #tpu.memory_space<vmem>>, vector<1x3x2048xf32>
    %get3A_8 = vector.shape_cast %get3A_7 : vector<1x3x2048xf32> to vector<3x2048xf32>
    %mul3A = arith.mulf %get3A_3, %get3A_3 : vector<2048x3xf32>
    %reduce_sum3A = arith.constant dense<0.000000e+00> : vector<2048xf32>
    %reduce_sum3A_9 = vector.multi_reduction <add>, %mul3A, %reduce_sum3A [1] : vector<2048x3xf32> to vector<2048xf32>
    %broadcast_in_dim3A = vector.shape_cast %reduce_sum3A_9 : vector<2048xf32> to vector<2048x1xf32>
    %mul3A_10 = arith.mulf %get3A_8, %get3A_8 : vector<3x2048xf32>
    %reduce_sum3A_11 = arith.constant dense<0.000000e+00> : vector<2048xf32>
    %reduce_sum3A_12 = vector.multi_reduction <add>, %mul3A_10, %reduce_sum3A_11 [0] : vector<3x2048xf32> to vector<2048xf32>
    %broadcast_in_dim3A_13 = vector.shape_cast %reduce_sum3A_12 : vector<2048xf32> to vector<1x2048xf32>
    %mul3A_14 = arith.constant 2.500000e-01 : f32
    %mul3A_15 = vector.broadcast %mul3A_14 : f32 to vector<1x2048xf32>
    %mul3A_16 = arith.mulf %mul3A_15, %broadcast_in_dim3A_13 : vector<1x2048xf32>
    %dot_general3A = arith.constant dense<0.000000e+00> : vector<2048x2048xf32>
    %dot_general3A_17 = tpu.matmul %get3A_3, %get3A_8, %dot_general3A {dimension_numbers = #tpu.dot_dimension_numbers<[1], [0], [0], [1], [0, 0, 1, 1], [], []>, transpose_lhs_hint = false} : vector<2048x3xf32>, vector<3x2048xf32>, vector<2048x2048xf32> -> vector<2048x2048xf32>
    %add3A = vector.broadcast %broadcast_in_dim3A : vector<2048x1xf32> to vector<2048x2048xf32>
    %add3A_18 = arith.addf %dot_general3A_17, %add3A : vector<2048x2048xf32>
    %add3A_19 = vector.broadcast %mul3A_16 : vector<1x2048xf32> to vector<2048x2048xf32>
    %add3A_20 = arith.addf %add3A_18, %add3A_19 : vector<2048x2048xf32>
    %reduce_min3A = arith.constant dense<0x7F800000> : vector<2048xf32>
    %reduce_min3A_21 = vector.multi_reduction <minimumf>, %add3A_20, %reduce_min3A [1] : vector<2048x2048xf32> to vector<2048xf32>
    %max3A = arith.constant 0.000000e+00 : f32
    %max3A_22 = vector.broadcast %max3A : f32 to vector<2048xf32>
    %max3A_23 = arith.maximumf %reduce_min3A_21, %max3A_22 : vector<2048xf32>
    %reduce_min3A_24 = arith.constant dense<0x7F800000> : vector<2048xf32>
    %reduce_min3A_25 = vector.multi_reduction <minimumf>, %add3A_20, %reduce_min3A_24 [0] : vector<2048x2048xf32> to vector<2048xf32>
    %max3A_26 = arith.constant 0.000000e+00 : f32
    %max3A_27 = vector.broadcast %max3A_26 : f32 to vector<2048xf32>
    %max3A_28 = arith.maximumf %reduce_min3A_25, %max3A_27 : vector<2048xf32>
    %sqrt3A = math.sqrt %max3A_23 : vector<2048xf32>
    %reduce_sum3A_29 = vector.shape_cast %sqrt3A : vector<2048xf32> to vector<1x2048xf32>
    %reduce_sum3A_30 = arith.constant dense<0.000000e+00> : vector<1xf32>
    %reduce_sum3A_31 = vector.multi_reduction <add>, %reduce_sum3A_29, %reduce_sum3A_30 [1] : vector<1x2048xf32> to vector<1xf32>
    %reduce_sum3A_32 = vector.shape_cast %reduce_sum3A_31 : vector<1xf32> to vector<1x1xf32>
    %reduce_sum3A_33 = vector.extract %reduce_sum3A_32[0, 0] : f32 from vector<1x1xf32>
    %sqrt3A_34 = math.sqrt %max3A_28 : vector<2048xf32>
    %reduce_sum3A_35 = vector.shape_cast %sqrt3A_34 : vector<2048xf32> to vector<1x2048xf32>
    %reduce_sum3A_36 = arith.constant dense<0.000000e+00> : vector<1xf32>
    %reduce_sum3A_37 = vector.multi_reduction <add>, %reduce_sum3A_35, %reduce_sum3A_36 [1] : vector<1x2048xf32> to vector<1xf32>
    %reduce_sum3A_38 = vector.shape_cast %reduce_sum3A_37 : vector<1xf32> to vector<1x1xf32>
    %reduce_sum3A_39 = vector.extract %reduce_sum3A_38[0, 0] : f32 from vector<1x1xf32>
    %eq3A = arith.constant 0 : i32
    %eq3A_40 = arith.cmpi eq, %arg0, %eq3A : i32
    %convert_element_type3A = arith.extui %eq3A_40 : i1 to i32
    %cond3A = arith.constant 0 : i32
    %cond3A_41 = arith.cmpi ne, %convert_element_type3A, %cond3A : i32
    scf.if %cond3A_41 {
      %swap3A_56 = arith.constant 0.000000e+00 : f32
      %swap3A_57 = arith.constant 0 : index
      %swap3A_58 = memref.load %arg4[%swap3A_57] : memref<2xf32, #tpu.memory_space<smem>>
      memref.store %swap3A_56, %arg4[%swap3A_57] : memref<2xf32, #tpu.memory_space<smem>>
      %swap3A_59 = arith.constant 0.000000e+00 : f32
      %swap3A_60 = arith.constant 1 : index
      %swap3A_61 = memref.load %arg4[%swap3A_60] : memref<2xf32, #tpu.memory_space<smem>>
      memref.store %swap3A_59, %arg4[%swap3A_60] : memref<2xf32, #tpu.memory_space<smem>>
    } else {
    }
    %get3A_42 = arith.constant 0 : index
    %get3A_43 = memref.load %arg4[%get3A_42] : memref<2xf32, #tpu.memory_space<smem>>
    %add3A_44 = arith.addf %get3A_43, %reduce_sum3A_33 : f32
    %swap3A = arith.constant 0 : index
    %swap3A_45 = memref.load %arg4[%swap3A] : memref<2xf32, #tpu.memory_space<smem>>
    memref.store %add3A_44, %arg4[%swap3A] : memref<2xf32, #tpu.memory_space<smem>>
    %get3A_46 = arith.constant 1 : index
    %get3A_47 = memref.load %arg4[%get3A_46] : memref<2xf32, #tpu.memory_space<smem>>
    %add3A_48 = arith.addf %get3A_47, %reduce_sum3A_39 : f32
    %swap3A_49 = arith.constant 1 : index
    %swap3A_50 = memref.load %arg4[%swap3A_49] : memref<2xf32, #tpu.memory_space<smem>>
    memref.store %add3A_48, %arg4[%swap3A_49] : memref<2xf32, #tpu.memory_space<smem>>
    %eq3A_51 = arith.constant 6 : i32
    %eq3A_52 = arith.cmpi eq, %arg0, %eq3A_51 : i32
    %convert_element_type3A_53 = arith.extui %eq3A_52 : i1 to i32
    %cond3A_54 = arith.constant 0 : i32
    %cond3A_55 = arith.cmpi ne, %convert_element_type3A_53, %cond3A_54 : i32
    scf.if %cond3A_55 {
      %get3A_56 = arith.constant 0 : index
      %get3A_57 = memref.load %arg4[%get3A_56] : memref<2xf32, #tpu.memory_space<smem>>
      %swap3A_58 = arith.constant 0 : index
      %swap3A_59 = arith.constant 0 : index
      %swap3A_60 = memref.load %arg3[%swap3A_58, %swap3A_59] : memref<1x2xf32, #tpu.memory_space<smem>>
      memref.store %get3A_57, %arg3[%swap3A_58, %swap3A_59] : memref<1x2xf32, #tpu.memory_space<smem>>
      %get3A_61 = arith.constant 1 : index
      %get3A_62 = memref.load %arg4[%get3A_61] : memref<2xf32, #tpu.memory_space<smem>>
      %swap3A_63 = arith.constant 0 : index
      %swap3A_64 = arith.constant 1 : index
      %swap3A_65 = memref.load %arg3[%swap3A_63, %swap3A_64] : memref<1x2xf32, #tpu.memory_space<smem>>
      memref.store %get3A_62, %arg3[%swap3A_63, %swap3A_64] : memref<1x2xf32, #tpu.memory_space<smem>>
    } else {
    }
    return
  }
  func.func @transform_0(%arg0: i32) -> (i32, i32, i32) {
    %c0_i32 = arith.constant 0 : i32
    %c0_i32_0 = arith.constant 0 : i32
    %c0_i32_1 = arith.constant 0 : i32
    return %arg0, %c0_i32, %c0_i32_0 : i32, i32, i32
  }
  func.func @transform_1(%arg0: i32) -> (i32, i32, i32) {
    %c0_i32 = arith.constant 0 : i32
    %c0_i32_0 = arith.constant 0 : i32
    %c0_i32_1 = arith.constant 0 : i32
    return %arg0, %c0_i32, %c0_i32_0 : i32, i32, i32
  }
  func.func @transform_2(%arg0: i32) -> (i32, i32) {
    %c0_i32 = arith.constant 0 : i32
    %c0_i32_0 = arith.constant 0 : i32
    %c0_i32_1 = arith.constant 0 : i32
    return %c0_i32, %c0_i32_0 : i32, i32
  }
}

</mosaic_0001>

<sc_bundles>
// kernel: kernel.4.cloned.1.call-start
scs
__scs_entry_jumppad:
0x0: {  	(pc) =	sbr.rel $0x88, $3  }
0x1: {  	(tag) =	ssettag $0x0;
	lr =	simm.s32 $0x1  }
0x2: {  	[smem:$0x3F9F] =	sst lr;
	_ =	strace $0xD0000000  }
0x3: {  	_ = 	snop  }
0x4: {  	_ = 	snop  }
0x5: {  	_ = 	snop  }
0x6: {  	_ = 	snop  }
0x7: {  	_ = 	snop  }
__scs_overlays_trampoline_lowered:
0x8: {  	[smem:$0x3FAE] =	sst s0  }
0x9: {  	[smem:$0x3FAF] =	sst s1  }
0xa: {  	[smem:$0x3FB0] =	sst s2  }
0xb: {  	[smem:$0x3FB1] =	sst s3  }
0xc: {  	[smem:$0x3FB2] =	sst s4  }
0xd: {  	[smem:$0x3FB3] =	sst s5  }
0xe: {  	[smem:$0x3FB4] =	sst s6  }
0xf: {  	[smem:$0x3FB5] =	sst s7  }
0x10: {  	[smem:$0x3FB6] =	sst s8  }
0x11: {  	[smem:$0x3FB7] =	sst s9;
	s0 =	simm.s32 @!p0 $0x0  }
0x12: {  	s1 =	sld [smem:$0x3F9D];
	s0 =	simm.s32 @p0 $0x1  }
0x13: {  	[smem:$0x3FB8] =	sst s0;
	s0 =	simm.s32 @!p1 $0x0  }
0x14: {  	s2 =	sld [smem:$0x3F9C];
	s0 =	simm.s32 @p1 $0x1  }
0x15: {  	[smem:$0x3FB9] =	sst s0;
	s0 =	simm.s32 @!p2 $0x0  }
0x16: {  	s3 =	sld [smem:$0x3FDB];
	s0 =	simm.s32 @p2 $0x1  }
0x17: {  	s4 =	simm.s32 $0x1BF5;
	[smem:$0x3FBB] =	sst s0  }
0x18: {  	s0 =	sld [smem:$0x3F9E];
	_ =	swait.ge [sflag:s4], $0x0  }
0x19: {  	s7 =	sld [smem:$0x3F9F]  }
0x1a: {  	s8 =	sadd.s32 $0xFFFFE003, lr  }
0x1b: {  	s9 =	sadd.s32 $0xFFFFFEF7, lr;
	s5 =	simm.s32 $0xFFFFFFFF;
	p2 =	slt.u32 s8, $0xFFFFF086  }
0x1c: {  	p1 =	slt.u32 s9, $0xF7A;
	s5 =	simm.s32 @!p2 $0x0  }
0x1d: {  	s5 =	simm.s32 @p1 $0x1;
	p0 =	seq.s32 s7, s2  }
0x1e: {  	s7 =	smul.u32 @!p0 $0xF7A, s2;
	p2 =	seq.s32 @!p0 s5, $0x0  }
0x1f: {  	s9 =	smul.u32 $0xF7A, s1;
	s8 =	simm.s32 @!p0 $0x1BF5;
	p2 =	por !p2, p0  }
0x20: {  	[sflag:s8] =	ssyncset.s32 @!p0 $0xFFFFF086;
	s6 =	sadd.s32 @!p0 s3, s7;
	s7 =	simm.s32 @!p0 $0x108  }
0x21: {  	s3 =	sadd.s32 s3, s9;
	s6 =	sadd.s32 @!p0 $0x88, s6;
	s7 =	simm.s32 @p2 $0x1082  }
0x22: {  	[simem:s7], [sflag:s8] =	dma.local @!p0 [hbm:s6], $0xF7A  }
0x23: {  	s9 =	sor.u32 $0xD0000000, s2;
	s6 =	simm.s32 $0x108;
	_ =	swait.ge @!p0 [sflag:s8], $0x0  }
0x24: {  	s3 =	sadd.s32 $0x88, s3;
	s6 =	simm.s32 @!p1 $0x1082;
	[sflag:s4] =	ssyncset.s32 $0xFFFFF086  }
0x25: {  	[simem:s6], [sflag:s4] =	dma.local [hbm:s3], $0xF7A  }
0x26: {  	[smem:$0x3F9F] =	sst s1;
	(tag) =	ssettag s2;
	_ =	strace s9  }
0x27: {  	s1 =	sld [smem:$0x3FAF]  }
0x28: {  	s2 =	sld [smem:$0x3FB0]  }
0x29: {  	s4 =	sld [smem:$0x3FB2]  }
0x2a: {  	p0 =	seq.s32 s5, $0x0;
	s5 =	sld [smem:$0x3FB3]  }
0x2b: {  	s6 =	sld [smem:$0x3FB4]  }
0x2c: {  	s7 =	sld [smem:$0x3FB5]  }
0x2d: {  	s3 =	simm.s32 $0x108;
	s8 =	sld [smem:$0x3FB6]  }
0x2e: {  	s3 =	simm.s32 @!p0 $0x1082;
	s9 =	sld [smem:$0x3FB7]  }
0x2f: {  	lr =	sadd.s32 s0, s3;
	s0 =	sld [smem:$0x3FAE]  }
0x30: {  	s3 =	sld [smem:$0x3FB1]  }
0x31: {  	[smem:$0x3FBA] =	sst s10  }
0x32: {  	s10 =	sld [smem:$0x3FB8];
	_ =	sdelay $0x3  }
0x33: {  	p0 =	seq.s32 s10, $0x1;
	s10 =	sld [smem:$0x3FBA];
	_ =	sdelay $0x3  }
0x34: {  	[smem:$0x3FBA] =	sst s10  }
0x35: {  	s10 =	sld [smem:$0x3FB9];
	_ =	sdelay $0x3  }
0x36: {  	p1 =	seq.s32 s10, $0x1;
	s10 =	sld [smem:$0x3FBA];
	_ =	sdelay $0x3  }
0x37: {  	[smem:$0x3FBA] =	sst s10  }
0x38: {  	s10 =	sld [smem:$0x3FBB]  }
0x39: {  	_ = 	snop;
	(pc) =	sbr.ind lr, $3  }
0x3a: {  	_ = 	snop  }
0x3b: {  	_ = 	snop  }
0x3c: {  	p2 =	seq.s32 s10, $0x1;
	s10 =	sld [smem:$0x3FBA]  }
0x3d: {  	_ =	shalt  }
0x3e: {  	_ =	shalt  }
0x3f: {  	_ =	shalt  }
0x40: {  	_ =	shalt  }
0x41: {  	_ =	shalt  }
0x42: {  	_ =	shalt  }
0x43: {  	_ =	shalt  }
0x44: {  	_ =	shalt  }
0x45: {  	_ =	shalt  }
0x46: {  	_ =	shalt  }
0x47: {  	_ =	shalt  }
0x48: {  	_ =	shalt  }
0x49: {  	_ =	shalt  }
0x4a: {  	_ =	shalt  }
0x4b: {  	_ =	shalt  }
0x4c: {  	_ =	shalt  }
0x4d: {  	_ =	shalt  }
0x4e: {  	_ =	shalt  }
0x4f: {  	_ =	shalt  }
0x50: {  	_ =	shalt  }
0x51: {  	_ =	shalt  }
0x52: {  	_ =	shalt  }
0x53: {  	_ =	shalt  }
0x54: {  	_ =	shalt  }
0x55: {  	_ =	shalt  }
0x56: {  	_ =	shalt  }
0x57: {  	_ =	shalt  }
0x58: {  	_ =	shalt  }
0x59: {  	_ =	shalt  }
0x5a: {  	_ =	shalt  }
0x5b: {  	_ =	shalt  }
0x5c: {  	_ =	shalt  }
0x5d: {  	_ =	shalt  }
0x5e: {  	_ =	shalt  }
0x5f: {  	_ =	shalt  }
0x60: {  	_ =	shalt  }
0x61: {  	_ =	shalt  }
0x62: {  	_ =	shalt  }
0x63: {  	_ =	shalt  }
0x64: {  	_ =	shalt  }
0x65: {  	_ =	shalt  }
0x66: {  	_ =	shalt  }
0x67: {  	_ =	shalt  }
0x68: {  	_ =	shalt  }
0x69: {  	_ =	shalt  }
0x6a: {  	_ =	shalt  }
0x6b: {  	_ =	shalt  }
0x6c: {  	_ =	shalt  }
0x6d: {  	_ =	shalt  }
0x6e: {  	_ =	shalt  }
0x6f: {  	_ =	shalt  }
0x70: {  	_ =	shalt  }
0x71: {  	_ =	shalt  }
0x72: {  	_ =	shalt  }
0x73: {  	_ =	shalt  }
0x74: {  	_ =	shalt  }
0x75: {  	_ =	shalt  }
0x76: {  	_ =	shalt  }
0x77: {  	_ =	shalt  }
0x78: {  	_ =	shalt  }
0x79: {  	_ =	shalt  }
0x7a: {  	_ =	shalt  }
0x7b: {  	_ =	shalt  }
0x7c: {  	_ =	shalt  }
0x7d: {  	_ =	shalt  }
0x7e: {  	_ =	shalt  }
0x7f: {  	_ =	shalt  }
0x80: {  	_ =	shalt  }
0x81: {  	_ =	shalt  }
0x82: {  	_ =	shalt  }
0x83: {  	_ =	shalt  }
0x84: {  	_ =	shalt  }
0x85: {  	_ =	shalt  }
0x86: {  	_ =	shalt  }
0x87: {  	_ =	shalt  }
.Lfunc_end0:
.L_simem_size_0:
called_computation_lowered:
.L_overlay_start_0:
0x88: {  	s2 =	sld [smem:$0x3FD9]  }
0x89: {  	s3 =	sld [smem:$0x3FFE];
	_ =	sdelay $0x1  }
0x8a: {  	s1 =	srdreg.scid  }
0x8b: {  	s0 =	sand.u32 $0x1, s1  }
0x8c: {  	s16 =	sshll.u32 s0, $0xA;
	s2 =	sadd.s32 s3, s2  }
0x8d: {  	s2 =	sadd.s32 s2, s16  }
0x8e: {  	[smem:$0x3FC6] =	sst s2  }
0x8f: {  	_ = 	snop  }
0x90: {  	(tm) =	ssettm $0x1  }
0x91: {  	s17 =	sld [smem:$0x3FFB];
	_ =	sdelay $0x3  }
0x92: {  	_ =	strace s17  }
0x93: {  	s2 =	sld [smem:$0x3FFC];
	_ =	sdelay $0x3  }
0x94: {  	_ =	strace s2  }
0x95: {  	s2 =	sld [smem:$0x3FFD];
	_ =	sdelay $0x3  }
0x96: {  	_ =	strace s2  }
0x97: {  	_ =	strace $0x8FFFFFFF  }
0x98: {  	s18 =	sld [smem:$0x3FDB];
	_ =	sdelay $0x1  }
0x99: {  	s19 =	simm.s32 $_scs_section_size  }
0x9a: {  	s4 =	simm.s32 $_size__tile_overlayer_lowered;
	s5 =	simm.s32 $_tile_overlayer_lowered  }
0x9b: {  	s22 =	simm.s32 $0x1BFF;
	s21 =	sshll.u32 s5, $0x1;
	s2 =	sadd.s32 s19, s18  }
0x9c: {  	s6 =	simm.s32 $0x0;
	s20 =	sshll.u32 s4, $0x1;
	s4 =	sadd.s32 s21, s2  }
0x9d: {  	[timem:s6], [sflag:s22] =	dma.local [hbm:s4], s20  }
0x9e: {  	_ =	swait.ge [sflag:s22], s20  }
0x9f: {  	s3 =	ssub.s32 $0x0, s20;
	[sflag:s22] =	ssyncset.done $0x0  }
0xa0: {  	[sflag:s22] =	ssyncadd.s32 s3;
	_ =	sdelay $0x1  }
0xa1: {  	s23 =	simm.s32 $0x1B8B  }
0xa2: {  	_ =	swait.ge [sflag:s23], $0x1  }
0xa3: {  	[sflag:s23] =	ssyncset.done $0x0  }
0xa4: {  	s25 =	simm.s32 $0x1B8E;
	s24 =	sld [smem:$0x3FFE];
	[sflag:s23] =	ssyncadd.s32 $0xFFFFFFFF  }
0xa5: {  	s26 =	simm.s32 $execute0_lowered;
	[smem:$0x3FD2] =	sst s25  }
0xa6: {  	s4 =	sshll.u32 s26, $0x1;
	_ =	strace $0x80000046;
	[dreg:$0x1] =	wrdreg $0xFFFFFFFF  }
0xa7: {  	s28 =	simm.s32 $_size_execute0_lowered;
	s2 =	sadd.s32 s2, s4;
	[dreg:$0x0] =	wrdreg $0x0  }
0xa8: {  	s4 =	sshll.u32 s28, $0x1;
	[dreg:$0x2] =	wrdreg s2  }
0xa9: {  	[dreg:$0x3] =	wrdreg s4  }
0xaa: {  	[dreg:$0x4] =	wrdreg $0xC0  }
0xab: {  	_ =	task [dreg:s6], $0x5FFFF  }
0xac: {  	[dreg:$0x1] =	wrdreg $0xFFFFFFFF  }
0xad: {  	[dreg:$0x0] =	wrdreg $0x60  }
0xae: {  	[dreg:$0x2] =	wrdreg s24  }
0xaf: {  	[dreg:$0x3] =	wrdreg $0x9  }
0xb0: {  	_ =	task.clear_ibuf [dreg:s6], $0x4FFFF;
	_ =	strace $0x90000046  }
0xb1: {  	s29 =	simm.s32 $0x9;
	_ =	strace $0x80000048  }
0xb2: {  	_ =	swait.ge [sflag:s29], $0x1  }
0xb3: {  	[sflag:s29] =	ssyncadd.s32 $0xFFFFFFFF  }
0xb4: {  	_ =	strace $0x90000048  }
0xb5: {  	_ =	sfence  }
0xb6: {  	s30 =	sld [smem:$0x0];
	_ =	sdelay $0x2  }
0xb7: {  	s31 =	sshll.u32 s1, $0xD;
	s1 =	sshrl.u32 s1, $0x2  }
0xb8: {  	s3 =	sand.u32 $0x4000, s31;
	s1 =	sadd.s32 s1, s30  }
0xb9: {  	s0 =	sor.u32 s3, s0;
	s1 =	sshll.u32 s1, $0x11  }
0xba: {  	s0 =	sor.u32 s1, s0  }
0xbb: {  	s0 =	sadd.s32 $0x8F2B, s0  }
0xbc: {  	[sflag:s0] =	ssyncadd.remote.s32 $0x1  }
0xbd: {  	_ =	sfence.sel $0xFFFF  }
0xbe: {  	[dreg:$0x0] =	wrdreg $0xFFFFFFFF;
	(pc) =	sbr.abs _section_cstart, $3  }
0xbf: {  	[dreg:$0x1] =	wrdreg $0xFFFFFFFF  }
0xc0: {  	_ =	task.clear_ibuf [dreg:s6], $0x2FFFF;
	_ =	strace $0x9FFFFFFF  }
0xc1: {  	(tm) =	ssettm $0x7FFFFFFF  }
tec
execute0_lowered:
.L_overlay_start_1:
0x0: {  	(tag) =	ssettag $0x1  }
0x1: {  	s2 =	rddreg [dreg:$0x0]  }
0x2: {  	s0 =	rddreg [dreg:$0x1];
	s4 =	srdreg.scid  }
0x3: {  	s1 =	stileid.u32;
	s3 =	simm.s32 $0x0;
	s12 =	simm.s32 $0x3880  }
0x4: {  	s5 =	sand.u32 $0x1, s4;
	s31 =	sshll.u32 s1, $0x1;
	[smem:$0x7FF] =	sst s3  }
0x5: {  	s4 =	sadd.s32 $0x400, s2;
	s6 =	sor.u32 s5, s31;
	_ =	strace $0x80000047  }
0x6: {  	s8 =	ssub.s32 $0x2, s5;
	s7 =	sshll.u32 s6, $0x8;
	s5 =	sshll.u32 s6, $0x6  }
0x7: {  	s6 =	sshll.u32 s6, $0x7;
	s9 =	sshrl.u32 s8, $0x1;
	s7 =	sadd.s32 s7, s2  }
0x8: {  	s10 =	sand.u32 $0x780, s5;
	s11 =	sadd.s32 s6, s2;
	s8 =	ssub.s32 s8, s9  }
0x9: {  	s9 =	simm.s32 $0x1;
	s13 =	sor.u32 $0x800, s10;
	s14 =	sor.u32 $0x1000, s10  }
0xa: {  	v0 =	vimm.f32 $3.000000010e+38;
	s6 =	sadd.s32 $0x800, s7;
	s7 =	sadd.s32 $0x2800, s11;
	s8 =	smax.u32 s8, $0x1  }
0xb: {  	v1 =	vmov s5;
	s10 =	simm.s32 $0x1880;
	s11 =	simm.s32 $0x3080;
	v2 =	vmov s13;
	v3 =	vmov s14;
	s13 =	simm.s32 $0x0  }
.LBB2_1:
0xc: {  	[tilespmem:s3], [sflag:$0x1] =	stream.linear.gather [hbm4b:s2+s3], $0x1800, $0x38;
	[tilespmem:$0x3C80] =	vst v63  }
0xd: {  	_ =	swait.ge [sflag:s9], $0x1800  }
0xe: {  	[sflag:s9] =	ssyncset.done $0x0  }
0xf: {  	[sflag:s9] =	ssyncadd.s32 $0xFFFFE800  }
0x10: {  	[tilespmem:s10], [sflag:$0x1] =	stream.linear.gather [hbm4b:s4+s3], $0x1800, $0x38;
	[tilespmem:$0x3C80] =	vst v63  }
0x11: {  	_ =	swait.ge [sflag:s9], $0x1800  }
0x12: {  	[sflag:s9] =	ssyncset.done $0x0  }
0x13: {  	s14 =	simm.s32 $0x40;
	s15 =	simm.s32 $0x0;
	[sflag:s9] =	ssyncadd.s32 $0xFFFFE800  }
.LBB2_2:
0x14: {  	p0 =	sne.s32 s14, $0x1FC0;
	[tilespmem:s15+$0x3080] =	vst v0;
	s15 =	smov.u32 s14;
	s14 =	sadd.s32 $0x40, s14  }
.Ltmp0:
0x15: {  	(pc) =	sbr.rel @p0 .LBB2_2-.Ltmp0, $2  }
0x16: {  	_ =	sdelay $0x2  }
0x17: {  	s15 =	sshra.s32 s15, $0x2  }
0x18: {  	[tilespmem:s15+$0x3080] =	vst v0;
	s14 =	simm.s32 $0x0;
	s15 =	simm.s32 $0x0  }
.LBB2_4:
0x19: {  	_ =	sdelay $0x2  }
0x1a: {  	s16 =	sshll.u32 s15, $0x3  }
0x1b: {  	v19 =	vld.idx.msk [tilespmem:v1+s16+$0x0 ss:$0x1], $0xffff  }
0x1c: {  	s17 =	sadd.s32 s5, s16  }
0x1d: {  	s28 =	sand.u32 $0x78, s17  }
0x1e: {  	v28 =	vld.idx.msk [tilespmem:v2+s28+$0x0 ss:$0x1], $0xffff  }
0x1f: {  	v13 =	vld.idx.msk [tilespmem:v3+s28+$0x0 ss:$0x1], $0xffff  }
0x20: {  	v9 =	vbroadcast v19, $0x0;
	v10 =	vbroadcast v19, $0x1  }
0x21: {  	v12 =	vbroadcast v19, $0x2;
	v15 =	vbroadcast v19, $0x3  }
0x22: {  	v17 =	vbroadcast v19, $0x4;
	v21 =	vbroadcast v19, $0x5  }
0x23: {  	s30 =	simm.s32 $0x1880;
	v23 =	vbroadcast v19, $0x6;
	v27 =	vbroadcast v19, $0x7  }
0x24: {  	v30 =	vld [tilespmem:s30+$0x0];
	v7 =	vbroadcast v28, $0x0;
	v14 =	vbroadcast v13, $0x0  }
0x25: {  	v5 =	vbroadcast v28, $0x1;
	v16 =	vbroadcast v13, $0x1  }
0x26: {  	v6 =	vbroadcast v28, $0x2;
	v18 =	vbroadcast v13, $0x2  }
0x27: {  	s29 =	sand.u32 $0x7F0, s14;
	v4 =	vbroadcast v28, $0x3;
	v20 =	vbroadcast v13, $0x3  }
0x28: {  	v29 =	vld [tilespmem:s29+$0x2880];
	v8 =	vbroadcast v28, $0x4;
	v22 =	vbroadcast v13, $0x4  }
0x29: {  	v11 =	vbroadcast v28, $0x5;
	v37 =	vsub.f32 v30, v27;
	v39 =	vsub.f32 v30, v21  }
0x2a: {  	v24 =	vbroadcast v13, $0x6;
	v40 =	vsub.f32 v30, v23;
	v41 =	vsub.f32 v30, v15  }
0x2b: {  	v25 =	vbroadcast v13, $0x7;
	v42 =	vsub.f32 v30, v17;
	v43 =	vsub.f32 v30, v12  }
0x2c: {  	v26 =	vbroadcast v13, $0x5;
	v44 =	vsub.f32 v30, v10;
	v30 =	vsub.f32 v30, v9  }
0x2d: {  	v38 =	vld [tilespmem:s29+$0x2080];
	v13 =	vbroadcast v28, $0x6;
	v31 =	vsub.f32 v29, v24;
	v32 =	vsub.f32 v29, v25  }
0x2e: {  	v19 =	vbroadcast v28, $0x7;
	v33 =	vsub.f32 v29, v22;
	v34 =	vsub.f32 v29, v26  }
0x2f: {  	v28 =	vsub.f32 v29, v18;
	v35 =	vsub.f32 v29, v20;
	v40 =	vmul.f32 v40, v40  }
0x30: {  	v36 =	vsub.f32 v29, v16;
	v37 =	vmul.f32 v37, v37;
	v42 =	vmul.f32 v42, v42  }
0x31: {  	v29 =	vsub.f32 v29, v14;
	v39 =	vmul.f32 v39, v39;
	v43 =	vmul.f32 v43, v43  }
0x32: {  	v41 =	vmul.f32 v41, v41;
	v45 =	vsub.f32 v38, v7;
	v44 =	vmul.f32 v44, v44  }
0x33: {  	v46 =	vsub.f32 v38, v19;
	v30 =	vmul.f32 v30, v30;
	v47 =	vsub.f32 v38, v5  }
0x34: {  	v48 =	vsub.f32 v38, v13;
	v31 =	vmul.f32 v31, v31;
	v32 =	vmul.f32 v32, v32  }
0x35: {  	v49 =	vsub.f32 v38, v6;
	v33 =	vmul.f32 v33, v33;
	v34 =	vmul.f32 v34, v34  }
0x36: {  	v50 =	vsub.f32 v38, v11;
	v28 =	vmul.f32 v28, v28;
	v35 =	vmul.f32 v35, v35  }
0x37: {  	s16 =	simm.s32 $0x3080;
	v52 =	vsub.f32 v38, v4;
	v36 =	vmul.f32 v36, v36;
	v45 =	vmul.f32 v45, v45  }
0x38: {  	v51 =	vld [tilespmem:s16+$0x0];
	v38 =	vsub.f32 v38, v8;
	v29 =	vmul.f32 v29, v29;
	v47 =	vmul.f32 v47, v47  }
0x39: {  	v61 =	vmul.f32 v49, v49;
	v46 =	vmul.f32 v46, v46;
	v30 =	vadd.f32 v45, v30  }
0x3a: {  	v62 =	vmul.f32 v52, v52;
	v48 =	vmul.f32 v48, v48;
	v44 =	vadd.f32 v47, v44  }
0x3b: {  	v38 =	vmul.f32 v38, v38;
	v29 =	vadd.f32 v29, v30;
	v30 =	vadd.f32 v61, v43  }
0x3c: {  	v63 =	vmul.f32 v50, v50;
	v41 =	vadd.f32 v62, v41;
	v36 =	vadd.f32 v36, v44  }
0x3d: {  	v49 =	vmin.f32 v51, v29;
	v28 =	vadd.f32 v28, v30;
	v30 =	vadd.f32 v38, v42  }
0x3e: {  	v41 =	vadd.f32 v35, v41;
	v51 =	vadd.f32 v63, v39;
	v50 =	vmin.f32 v49, v36  }
0x3f: {  	v38 =	vmin.f32 v50, v28;
	v33 =	vadd.f32 v33, v30;
	v30 =	vadd.f32 v48, v40  }
0x40: {  	v52 =	vadd.f32 v46, v37;
	v39 =	vadd.f32 v34, v51;
	v38 =	vmin.f32 v38, v41  }
0x41: {  	v53 =	vmin.f32 v38, v33;
	v54 =	vadd.f32 v31, v30  }
0x42: {  	v55 =	vadd.f32 v32, v52;
	v30 =	vmin.f32 v53, v39  }
0x43: {  	v30 =	vmin.f32 v30, v54  }
0x44: {  	s31 =	simm.s32 $0x10;
	v30 =	vmin.f32 v30, v55  }
0x45: {  	s19 =	sand.u32 $0x7F0, s31;
	[tilespmem:s16+$0x0] =	vst v30  }
0x46: {  	v56 =	vld [tilespmem:s19+$0x2880];
	_ =	sdelay $0x1  }
0x47: {  	v57 =	vimm.f32 $3.000000010e+38  }
0x48: {  	v35 =	vmin.f32 v57, v29;
	v34 =	vmin.f32 v57, v36  }
0x49: {  	s17 =	simm.s32 $0x1890;
	v31 =	vmin.f32 v57, v28;
	v28 =	vmin.f32 v57, v33;
	v29 =	vmin.f32 v57, v39  }
0x4a: {  	v33 =	vmin.f32 v57, v55;
	v42 =	vld [tilespmem:s17+$0x0];
	v58 =	vsub.f32 v56, v24;
	v59 =	vsub.f32 v56, v25  }
0x4b: {  	v32 =	vmin.f32 v57, v54;
	v60 =	vsub.f32 v56, v22;
	v61 =	vsub.f32 v56, v26  }
0x4c: {  	v30 =	vmin.f32 v57, v41;
	v62 =	vsub.f32 v56, v18;
	v63 =	vsub.f32 v56, v20  }
0x4d: {  	v43 =	vsub.f32 v56, v16;
	v37 =	vmul.f32 v58, v58;
	v36 =	vmul.f32 v59, v59  }
0x4e: {  	v44 =	vsub.f32 v56, v14;
	v39 =	vmul.f32 v60, v60;
	v38 =	vmul.f32 v61, v61  }
0x4f: {  	s18 =	simm.s32 $0x20;
	v45 =	vsub.f32 v42, v27;
	v41 =	vmul.f32 v62, v62;
	v40 =	vmul.f32 v63, v63  }
.LBB2_5:
0x50: {  	p0 =	sne.s32 s18, $0x7F0;
	v46 =	vld [tilespmem:s19+$0x2080];
	v43 =	vmul.f32 v43, v43;
	v47 =	vsub.f32 v42, v21;
	v48 =	vsub.f32 v42, v23  }
0x51: {  	v44 =	vmul.f32 v44, v44;
	v49 =	vsub.f32 v42, v15;
	v50 =	vsub.f32 v42, v17  }
0x52: {  	v51 =	vsub.f32 v42, v12;
	v45 =	vmul.f32 v45, v45;
	v48 =	vmul.f32 v48, v48  }
0x53: {  	v52 =	vsub.f32 v42, v10;
	v50 =	vmul.f32 v50, v50;
	v47 =	vmul.f32 v47, v47  }
0x54: {  	v42 =	vsub.f32 v42, v9;
	v51 =	vmul.f32 v51, v51;
	v49 =	vmul.f32 v49, v49  }
0x55: {  	v52 =	vmul.f32 v52, v52;
	v53 =	vsub.f32 v46, v7;
	v54 =	vsub.f32 v46, v19  }
0x56: {  	v42 =	vmul.f32 v42, v42;
	v55 =	vsub.f32 v46, v5;
	v56 =	vsub.f32 v46, v13  }
0x57: {  	s16 =	sadd.s32 $0x10, s16;
	v57 =	vsub.f32 v46, v6;
	v58 =	vsub.f32 v46, v11;
	v53 =	vmul.f32 v53, v53  }
0x58: {  	v60 =	vsub.f32 v46, v4;
	v46 =	vsub.f32 v46, v8;
	v55 =	vmul.f32 v55, v55;
	v59 =	vld [tilespmem:s16+$0x0]  }
0x59: {  	v54 =	vmul.f32 v54, v54;
	v42 =	vadd.f32 v53, v42;
	v53 =	vmul.f32 v57, v57  }
0x5a: {  	v56 =	vmul.f32 v56, v56;
	v52 =	vadd.f32 v55, v52;
	v55 =	vmul.f32 v60, v60  }
0x5b: {  	v46 =	vmul.f32 v46, v46;
	v42 =	vadd.f32 v44, v42;
	v44 =	vadd.f32 v53, v51  }
0x5c: {  	v43 =	vadd.f32 v43, v52;
	v49 =	vadd.f32 v55, v49;
	v51 =	vmul.f32 v58, v58  }
0x5d: {  	v52 =	vmin.f32 v59, v42;
	v41 =	vadd.f32 v41, v44;
	v44 =	vadd.f32 v46, v50  }
0x5e: {  	v40 =	vadd.f32 v40, v49;
	v47 =	vadd.f32 v51, v47;
	v46 =	vmin.f32 v52, v43  }
0x5f: {  	v46 =	vmin.f32 v46, v41;
	v39 =	vadd.f32 v39, v44;
	v44 =	vadd.f32 v56, v48  }
0x60: {  	v45 =	vadd.f32 v54, v45;
	v38 =	vadd.f32 v38, v47;
	v46 =	vmin.f32 v46, v40  }
0x61: {  	v35 =	vmin.f32 v35, v42;
	v42 =	vmin.f32 v46, v39;
	v37 =	vadd.f32 v37, v44  }
0x62: {  	v36 =	vadd.f32 v36, v45;
	v34 =	vmin.f32 v34, v43;
	v42 =	vmin.f32 v42, v38  }
0x63: {  	v31 =	vmin.f32 v31, v41;
	v30 =	vmin.f32 v30, v40;
	v40 =	vmin.f32 v42, v37  }
0x64: {  	v28 =	vmin.f32 v28, v39;
	v29 =	vmin.f32 v29, v38;
	v38 =	vmin.f32 v40, v36  }
0x65: {  	s19 =	sand.u32 $0x7F0, s18;
	v33 =	vmin.f32 v33, v36;
	v32 =	vmin.f32 v32, v37;
	[tilespmem:s16+$0x0] =	vst v38  }
0x66: {  	v38 =	vld [tilespmem:s19+$0x2880];
	_ =	sdelay $0x3  }
0x67: {  	s17 =	sadd.s32 $0x10, s17  }
0x68: {  	v42 =	vld [tilespmem:s17+$0x0];
	v36 =	vsub.f32 v38, v24;
	v39 =	vsub.f32 v38, v25  }
.Ltmp1:
0x69: {  	v40 =	vsub.f32 v38, v22;
	v41 =	vsub.f32 v38, v26;
	(pc) =	sbr.rel @p0 .LBB2_5-.Ltmp1, $4  }
0x6a: {  	v45 =	vsub.f32 v38, v18;
	v46 =	vsub.f32 v38, v20  }
0x6b: {  	v43 =	vsub.f32 v38, v16;
	v37 =	vmul.f32 v36, v36;
	v36 =	vmul.f32 v39, v39  }
0x6c: {  	v44 =	vsub.f32 v38, v14;
	v39 =	vmul.f32 v40, v40;
	v38 =	vmul.f32 v41, v41  }
0x6d: {  	s18 =	sadd.s32 $0x10, s18;
	v41 =	vmul.f32 v45, v45;
	v40 =	vmul.f32 v46, v46;
	v45 =	vsub.f32 v42, v27  }
0x6e: {  	v14 =	vld [tilespmem:s19+$0x2080];
	v16 =	vmul.f32 v43, v43;
	v18 =	vsub.f32 v42, v21;
	v20 =	vsub.f32 v42, v23  }
0x6f: {  	v59 =	vmul.f32 v44, v44;
	v15 =	vsub.f32 v42, v15;
	v17 =	vsub.f32 v42, v17  }
0x70: {  	v12 =	vsub.f32 v42, v12;
	v22 =	vmul.f32 v45, v45;
	v20 =	vmul.f32 v20, v20  }
0x71: {  	v10 =	vsub.f32 v42, v10;
	v17 =	vmul.f32 v17, v17;
	v18 =	vmul.f32 v18, v18  }
0x72: {  	v9 =	vsub.f32 v42, v9;
	v12 =	vmul.f32 v12, v12;
	v15 =	vmul.f32 v15, v15  }
0x73: {  	v10 =	vmul.f32 v10, v10;
	v7 =	vsub.f32 v14, v7;
	v19 =	vsub.f32 v14, v19  }
0x74: {  	v9 =	vmul.f32 v9, v9;
	v5 =	vsub.f32 v14, v5;
	v13 =	vsub.f32 v14, v13  }
0x75: {  	s16 =	sadd.s32 $0x10, s16;
	v6 =	vsub.f32 v14, v6;
	v11 =	vsub.f32 v14, v11;
	v7 =	vmul.f32 v7, v7  }
0x76: {  	v60 =	vld [tilespmem:s16+$0x0];
	v4 =	vsub.f32 v14, v4;
	v8 =	vsub.f32 v14, v8;
	v5 =	vmul.f32 v5, v5  }
0x77: {  	v6 =	vmul.f32 v6, v6;
	v61 =	vmul.f32 v19, v19;
	v7 =	vadd.f32 v7, v9  }
0x78: {  	v4 =	vmul.f32 v4, v4;
	v62 =	vmul.f32 v13, v13;
	v5 =	vadd.f32 v5, v10  }
0x79: {  	v8 =	vmul.f32 v8, v8;
	v6 =	vadd.f32 v6, v12;
	v7 =	vadd.f32 v59, v7  }
0x7a: {  	v11 =	vmul.f32 v11, v11;
	v4 =	vadd.f32 v4, v15;
	v5 =	vadd.f32 v16, v5  }
0x7b: {  	v8 =	vadd.f32 v8, v17;
	v6 =	vadd.f32 v41, v6;
	v63 =	vmin.f32 v60, v7  }
0x7c: {  	v11 =	vadd.f32 v11, v18;
	v4 =	vadd.f32 v40, v4;
	v12 =	vmin.f32 v63, v5  }
0x7d: {  	v10 =	vadd.f32 v62, v20;
	v8 =	vadd.f32 v39, v8;
	v12 =	vmin.f32 v12, v6  }
0x7e: {  	v9 =	vadd.f32 v61, v22;
	v11 =	vadd.f32 v38, v11;
	v12 =	vmin.f32 v12, v4  }
0x7f: {  	v10 =	vadd.f32 v37, v10;
	v12 =	vmin.f32 v12, v8  }
0x80: {  	v9 =	vadd.f32 v36, v9;
	v12 =	vmin.f32 v12, v11  }
0x81: {  	v12 =	vmin.f32 v12, v10  }
0x82: {  	s17 =	sshll.u32 s15, $0x7;
	v12 =	vmin.f32 v12, v9  }
0x83: {  	s31 =	sand.u32 $0x3FFFFF80, s17;
	v7 =	vmin.f32 v35, v7;
	[tilespmem:s16+$0x0] =	vst v12  }
0x84: {  	v5 =	vmin.f32 v34, v5;
	[tilespmem:s31+$0x3880] =	vst v7  }
0x85: {  	s15 =	sadd.s32 $0x1, s15;
	v6 =	vmin.f32 v31, v6;
	[tilespmem:s31+$0x3890] =	vst v5  }
0x86: {  	p0 =	sne.s32 s15, $0x8;
	v4 =	vmin.f32 v30, v4;
	[tilespmem:s31+$0x38A0] =	vst v6  }
.Ltmp2:
0x87: {  	v5 =	vmin.f32 v28, v8;
	[tilespmem:s31+$0x38B0] =	vst v4;
	(pc) =	sbr.rel @p0 .LBB2_4-.Ltmp2, $4  }
0x88: {  	v4 =	vmin.f32 v29, v11;
	[tilespmem:s31+$0x38C0] =	vst v5  }
0x89: {  	v5 =	vmin.f32 v32, v10;
	[tilespmem:s31+$0x38D0] =	vst v4  }
0x8a: {  	v4 =	vmin.f32 v33, v9;
	[tilespmem:s31+$0x38E0] =	vst v5  }
0x8b: {  	[tilespmem:s31+$0x38F0] =	vst v4  }
0x8c: {  	[hbm4b:s6+s3] =	stream.linear.scatter [tilespmem:s11], [sflag:$0x1], $0x800, $0x38;
	[tilespmem:$0x3C80] =	vst v63  }
0x8d: {  	s13 =	sadd.s32 $0x1, s13;
	_ =	swait.ge [sflag:s9], $0x800  }
0x8e: {  	p0 =	sne.s32 s13, s8;
	[sflag:s9] =	ssyncset.done $0x0  }
.Ltmp3:
0x8f: {  	[sflag:s9] =	ssyncadd.s32 $0xFFFFF800;
	(pc) =	sbr.rel @p0 .LBB2_1-.Ltmp3, $4  }
0x90: {  	[hbm4b:s7+s3] =	stream.linear.scatter [tilespmem:s12], [sflag:$0x1], $0x400, $0x38;
	[tilespmem:$0x3C80] =	vst v63  }
0x91: {  	_ =	swait.ge [sflag:s9], $0x400  }
0x92: {  	[sflag:s9] =	ssyncset.done $0x0  }
0x93: {  	[sflag:s9] =	ssyncadd.s32 $0xFFFFFC00  }
0x94: {  	_ =	sfence.sel $0x180000  }
0x95: {  	[bflag:$0x0] =	sbarrier.arrive $0xFFFF  }
0x96: {  	p0 =	sne.s32 s1, $0x0;
	_ =	strace $0x90000047  }
0x97: {  	s0 =	sadd.s32 @!p0 $0x100000, s0;
	[bflag:$0x2] =	sbarrier.arrive $0xFFFF  }
0x98: {  	[sflag:s0] =	ssyncadd.tile.s32 @!p0 $0x1;
	_ =	shalt  }
.Lfunc_end2:
_tile_overlayer_lowered:
.L_overlay_start_2:
0x99: {  	(tag) =	ssettag $0x2  }
0x9a: {  	s0 =	rddreg [dreg:$0x0];
	s2 =	stileid.u32  }
0x9b: {  	s1 =	rddreg [dreg:$0x1];
	p0 =	sne.s32 s2, $0x0  }
0x9c: {  	s3 =	rddreg [dreg:$0x2];
	[bflag:$0x3] =	sbarrier.arrive $0xFFFF;
	s2 =	simm.s32 @!p0 $0x1C01  }
0x9d: {  	[timem:s3], [sflag:s2] =	dma.local @!p0 [hbm:s0], s1  }
0x9e: {  	s0 =	simm.s32 @!p0 $0x1  }
0x9f: {  	_ =	swait.ge @!p0 [sflag:s0], s1  }
0xa0: {  	s1 =	ssub.s32 @!p0 $0x0, s1;
	[sflag:s0] =	ssyncset.done @!p0 $0x0  }
0xa1: {  	[sflag:s0] =	ssyncadd.s32 @!p0 s1  }
0xa2: {  	[bflag:$0x3] =	sbarrier.arrive $0xFFFF  }
0xa3: {  	_ =	shalt  }

</sc_bundles>
